<compile_context>
chip_gen: v7x
topology: tpu7x:2x2x1
jax: 0.10.2.dev20260603
libtpu: 0.0.44.dev20260713+nightly
codegen_flags: <defaults>
</compile_context>

<pallas_src>
import jax
import jax.numpy as jnp
from jax import lax
from jax.experimental import pallas as pl
from jax.experimental.pallas import tpu as pltpu
from jax.experimental.pallas import tpu_sc as plsc

_N = 100000
_E = 6400000
_NC = 2
_NS = 16
_NW = _NC * _NS
_PER_W = _E // _NW
_W = 1000
_NWIN = _PER_W // _W
_GROUPS = _W // 16
_RCHUNK = 1000


def _edge_loss_body(pv_hbm, gv_hbm, eid_hbm, egt_hbm, out_hbm,
                    psp, gsp,
                    i0a, i0b, i0c, i0d, i1a, i1b, i1c, i1d,
                    r0a, r0b, r0c, r0d, r1a, r1b, r1c, r1d,
                    stage_v, acc_v, isem, gsem):
    c = lax.axis_index("c")
    s = lax.axis_index("s")
    wid = s * _NC + c

    idx_bufs = ((i0a, i0b, i0c, i0d), (i1a, i1b, i1c, i1d))
    row_bufs = ((r0a, r0b, r0c, r0d), (r1a, r1b, r1c, r1d))

    def stage_chunk(t, _):
        j = s + t * _NS

        @pl.when(j < _N // _RCHUNK)
        def _do():
            r0 = j * _RCHUNK
            pltpu.sync_copy(pv_hbm.at[pl.ds(r0, _RCHUNK)], stage_v)
            pltpu.sync_copy(stage_v, psp.at[pl.ds(r0, _RCHUNK)])
            pltpu.sync_copy(gv_hbm.at[pl.ds(r0, _RCHUNK)], stage_v)
            pltpu.sync_copy(stage_v, gsp.at[pl.ds(r0, _RCHUNK)])

        return 0

    lax.fori_loop(0, (_N // _RCHUNK + _NS - 1) // _NS, stage_chunk, 0)

    plsc.subcore_barrier()

    base0 = wid * _PER_W

    def idx_copies(i, buf):
        base = base0 + i * _W
        ib = idx_bufs[buf]
        return [
            pltpu.make_async_copy(eid_hbm.at[0, pl.ds(base, _W)], ib[0], isem),
            pltpu.make_async_copy(eid_hbm.at[1, pl.ds(base, _W)], ib[1], isem),
            pltpu.make_async_copy(egt_hbm.at[0, pl.ds(base, _W)], ib[2], isem),
            pltpu.make_async_copy(egt_hbm.at[1, pl.ds(base, _W)], ib[3], isem),
        ]

    def gather_copies(buf):
        ib = idx_bufs[buf]
        rb = row_bufs[buf]
        return [
            pltpu.make_async_copy(psp.at[ib[0]], rb[0], gsem),
            pltpu.make_async_copy(psp.at[ib[1]], rb[1], gsem),
            pltpu.make_async_copy(gsp.at[ib[2]], rb[2], gsem),
            pltpu.make_async_copy(gsp.at[ib[3]], rb[3], gsem),
        ]

    def fire_idx(i, buf):
        for cp in idx_copies(i, buf):
            cp.start()

    def wait_idx(i, buf):
        for cp in idx_copies(i, buf):
            cp.wait()

    def fire_gathers(buf):
        for cp in gather_copies(buf):
            cp.start()

    def wait_gathers(buf):
        for cp in gather_copies(buf):
            cp.wait()

    lanes = lax.iota(jnp.int32, 16)
    c0 = jnp.zeros((16,), jnp.int32)
    c1 = c0 + 1
    c2 = c0 + 2

    def compute(buf, acc):
        pa, pb, ga, gb = row_bufs[buf]

        def group(j, a):
            e = j * 16 + lanes
            ax = plsc.load_gather(pa, [e, c0])
            ay = plsc.load_gather(pa, [e, c1])
            az = plsc.load_gather(pa, [e, c2])
            bx = plsc.load_gather(pb, [e, c0])
            by = plsc.load_gather(pb, [e, c1])
            bz = plsc.load_gather(pb, [e, c2])
            dx = ax - bx
            dy = ay - by
            dz = az - bz
            lp = dx * dx + dy * dy + dz * dz
            cx = plsc.load_gather(ga, [e, c0])
            cy = plsc.load_gather(ga, [e, c1])
            cz = plsc.load_gather(ga, [e, c2])
            ex = plsc.load_gather(gb, [e, c0])
            ey = plsc.load_gather(gb, [e, c1])
            ez = plsc.load_gather(gb, [e, c2])
            fx = cx - ex
            fy = cy - ey
            fz = cz - ez
            lg = fx * fx + fy * fy + fz * fz
            return a + jnp.abs(lp / lg - 1.0)

        return lax.fori_loop(0, _GROUPS, group, acc)

    fire_idx(0, 0)
    wait_idx(0, 0)
    fire_gathers(0)
    fire_idx(1, 1)

    def body(k, acc):
        i = k * 2
        wait_idx(i + 1, 1)
        wait_gathers(0)
        fire_gathers(1)
        nxt = jnp.minimum(i + 2, _NWIN - 2)
        fire_idx(nxt, 0)
        acc = compute(0, acc)
        wait_idx(nxt, 0)
        wait_gathers(1)
        fire_gathers(0)
        acc = compute(1, acc)
        nxt2 = jnp.minimum(i + 3, _NWIN - 1)
        fire_idx(nxt2, 1)
        return acc

    acc = lax.fori_loop(0, _NWIN // 2, body, jnp.zeros((16,), jnp.float32))
    wait_gathers(0)
    wait_idx(_NWIN - 1, 1)

    acc_v[...] = acc
    pltpu.sync_copy(acc_v, out_hbm.at[wid])


_edge_loss = pl.kernel(
    _edge_loss_body,
    out_type=jax.ShapeDtypeStruct((_NW, 16), jnp.float32),
    mesh=plsc.VectorSubcoreMesh(core_axis_name="c", subcore_axis_name="s"),
    compiler_params=pltpu.CompilerParams(use_tc_tiling_on_sc=False,
                                         needs_layout_passes=False),
    scratch_types=(
        [pltpu.VMEM_SHARED((_N, 3), jnp.float32)] * 2
        + [pltpu.VMEM((_W,), jnp.int32)] * 8
        + [pltpu.VMEM((_W, 3), jnp.float32)] * 8
        + [pltpu.VMEM((_RCHUNK, 3), jnp.float32)]
        + [pltpu.VMEM((16,), jnp.float32)]
        + [pltpu.SemaphoreType.DMA] * 2
    ),
)


@jax.jit
def kernel(pred_v, edge_index_id, gt_v, edge_index_gt):
    if pred_v.ndim > 2:
        pred_v = pred_v.reshape((-1, 3))
        gt_v = gt_v.reshape((-1, 3))
    pv = pred_v.astype(jnp.float32)
    gv = gt_v.astype(jnp.float32)
    eid = edge_index_id.astype(jnp.int32)
    egt = edge_index_gt.astype(jnp.int32)
    partials = _edge_loss(pv, gv, eid, egt)
    return jnp.sum(partials) / jnp.float32(_E)

# --- scband reference (transcript-rebuilt; emitter-appended) ---
"""Pipeline reference for scband-loss-edge-23055384445894 (READ-ONLY COPY).

The authoritative reference and input builder live on the scoring server;
editing this copy changes nothing except your own understanding.
"""

import jax, jax.numpy as jnp
import numpy as np

N = 100000
E = 6400000

def setup_inputs(seed: int = 0) -> dict:
    key = jax.random.key(seed)
    k1, k2, k3, k4, k5, k6 = jax.random.split(key, 6)
    pred_v = jax.random.normal(k1, (N, 3), dtype=jnp.float32)
    gt_v = jax.random.normal(k2, (N, 3), dtype=jnp.float32)
    # build edge indices avoiding self-loops (src != dst) to prevent 0/0 in gt edge length
    src_id = jax.random.randint(k3, (E,), 0, N)
    off_id = jax.random.randint(k4, (E,), 1, N)
    dst_id = (src_id + off_id) % N
    edge_index_id = jnp.stack([src_id, dst_id], axis=0)
    src_gt = jax.random.randint(k5, (E,), 0, N)
    off_gt = jax.random.randint(k6, (E,), 1, N)
    dst_gt = (src_gt + off_gt) % N
    edge_index_gt = jnp.stack([src_gt, dst_gt], axis=0)
    return {
        "pred_v": pred_v,
        "edge_index_id": edge_index_id,
        "gt_v": gt_v,
        "edge_index_gt": edge_index_gt,
    }

def reference(pred_v, edge_index_id, gt_v, edge_index_gt):
    if pred_v.ndim > 2:
        pred_v = pred_v.reshape((-1, 3))
        gt_v = gt_v.reshape((-1, 3))
    # gather endpoint coordinates, compute squared edge lengths
    edge_len_pred = jnp.sum((pred_v[edge_index_id[0]] - pred_v[edge_index_id[1]]) ** 2, axis=1)
    edge_len_gt = jnp.sum((gt_v[edge_index_gt[0]] - gt_v[edge_index_gt[1]]) ** 2, axis=1)
    loss = jnp.mean(jnp.abs(edge_len_pred / edge_len_gt - 1.0))
    return loss

if __name__ == "__main__":
    import jax
    _d = setup_inputs()
    print(jax.jit(kernel)(*tuple(_d.values())))

</pallas_src>

<mosaic_0001>
#map = affine_map<(d0, d1) -> (0, 0)>
module attributes {stable_mosaic.version = 14 : i64} {
  func.func @_edge_loss_body(%arg0: i32, %arg1: i32, %arg2: memref<100000x3xf32, #tpu.memory_space<hbm>>, %arg3: memref<100000x3xf32, #tpu.memory_space<hbm>>, %arg4: memref<2x6400000xi32, #tpu.memory_space<hbm>>, %arg5: memref<2x6400000xi32, #tpu.memory_space<hbm>>, %arg6: memref<32x16xf32, #tpu.memory_space<hbm>>, %arg7: memref<100000x3xf32, #tpu.memory_space<vmem_shared>>, %arg8: memref<100000x3xf32, #tpu.memory_space<vmem_shared>>, %arg9: memref<1000xi32, #tpu.memory_space<vmem>>, %arg10: memref<1000xi32, #tpu.memory_space<vmem>>, %arg11: memref<1000xi32, #tpu.memory_space<vmem>>, %arg12: memref<1000xi32, #tpu.memory_space<vmem>>, %arg13: memref<1000xi32, #tpu.memory_space<vmem>>, %arg14: memref<1000xi32, #tpu.memory_space<vmem>>, %arg15: memref<1000xi32, #tpu.memory_space<vmem>>, %arg16: memref<1000xi32, #tpu.memory_space<vmem>>, %arg17: memref<1000x3xf32, #tpu.memory_space<vmem>>, %arg18: memref<1000x3xf32, #tpu.memory_space<vmem>>, %arg19: memref<1000x3xf32, #tpu.memory_space<vmem>>, %arg20: memref<1000x3xf32, #tpu.memory_space<vmem>>, %arg21: memref<1000x3xf32, #tpu.memory_space<vmem>>, %arg22: memref<1000x3xf32, #tpu.memory_space<vmem>>, %arg23: memref<1000x3xf32, #tpu.memory_space<vmem>>, %arg24: memref<1000x3xf32, #tpu.memory_space<vmem>>, %arg25: memref<1000x3xf32, #tpu.memory_space<vmem>>, %arg26: memref<16xf32, #tpu.memory_space<vmem>>, %arg27: memref<!tpu.dma_semaphore, #tpu.memory_space<semaphore_mem>>, %arg28: memref<!tpu.dma_semaphore, #tpu.memory_space<semaphore_mem>>) attributes {dimension_semantics = [#tpu.dimension_semantics<core_parallel>, #tpu.dimension_semantics<subcore_parallel>], iteration_bounds = array<i64: 2, 16>, scalar_prefetch = 0 : i64, scratch_operands = 22 : i64, tpu.core_type = #tpu.core_type<sc_vector_subcore>, window_params = [{transform_indices = #map}, {transform_indices = #map}, {transform_indices = #map}, {transform_indices = #map}, {transform_indices = #map}]} {
    %mul3A = arith.constant 2 : i32
    %mul3A_0 = arith.muli %arg1, %mul3A : i32
    %add3A = arith.addi %mul3A_0, %arg0 : i32
    %scan3A = arith.constant 0 : i32
    %scan3A_1 = arith.constant 0 : i32
    %scan3A_2 = arith.constant 7 : i32
    %scan3A_3 = arith.addi %scan3A_1, %scan3A_2 : i32
    %scan3A_4 = arith.constant 1 : i32
    %scan3A_5 = scf.for %scan3A_135 = %scan3A_1 to %scan3A_3 step %scan3A_4 iter_args(%scan3A_136 = %scan3A) -> (i32)  : i32 {
      %mul3A_137 = arith.constant 16 : i32
      %mul3A_138 = arith.muli %scan3A_135, %mul3A_137 : i32
      %add3A_139 = arith.addi %arg1, %mul3A_138 : i32
      %lt3A = arith.constant 100 : i32
      %lt3A_140 = arith.cmpi slt, %add3A_139, %lt3A : i32
      %convert_element_type3A = arith.extui %lt3A_140 : i1 to i32
      %cond3A = arith.constant 0 : i32
      %cond3A_141 = arith.cmpi ne, %convert_element_type3A, %cond3A : i32
      scf.if %cond3A_141 {
        %mul3A_143 = arith.constant 1000 : i32
        %mul3A_144 = arith.muli %add3A_139, %mul3A_143 : i32
        "tpu.region"() ({
          %run_scoped3A = tpu.sem_alloc : memref<!tpu.dma_semaphore, #tpu.memory_space<semaphore_mem>>
          %dma_start3A_145 = arith.constant 0 : i32
          %dma_start3A_146 = tpu.memref_slice %arg2[%mul3A_144, %dma_start3A_145] : memref<100000x3xf32, #tpu.memory_space<hbm>> -> memref<1000x3xf32, #tpu.memory_space<hbm>>
          %dma_start3A_147 = arith.constant 0 : i32
          %dma_start3A_148 = tpu.memref_slice %arg2[%mul3A_144, %dma_start3A_147] : memref<100000x3xf32, #tpu.memory_space<hbm>> -> memref<1000x3xf32, #tpu.memory_space<hbm>>
          tpu.enqueue_dma source(%dma_start3A_148 : memref<1000x3xf32, #tpu.memory_space<hbm>>) target(%arg25 : memref<1000x3xf32, #tpu.memory_space<vmem>>) target_semaphore(%run_scoped3A : memref<!tpu.dma_semaphore, #tpu.memory_space<semaphore_mem>>)
          %dma_wait3A_149 = arith.constant 0 : i32
          %dma_wait3A_150 = tpu.memref_slice %arg2[%mul3A_144, %dma_wait3A_149] : memref<100000x3xf32, #tpu.memory_space<hbm>> -> memref<1000x3xf32, #tpu.memory_space<hbm>>
          %dma_wait3A_151 = arith.constant 0 : i32
          %dma_wait3A_152 = tpu.memref_slice %arg2[%mul3A_144, %dma_wait3A_151] : memref<100000x3xf32, #tpu.memory_space<hbm>> -> memref<1000x3xf32, #tpu.memory_space<hbm>>
          tpu.wait_dma2 semaphore(%run_scoped3A : memref<!tpu.dma_semaphore, #tpu.memory_space<semaphore_mem>>) src(%dma_wait3A_152 : memref<1000x3xf32, #tpu.memory_space<hbm>>) dst(%arg25 : memref<1000x3xf32, #tpu.memory_space<vmem>>)
          tpu.yield
        }) : () -> ()
        "tpu.region"() ({
          %run_scoped3A = tpu.sem_alloc : memref<!tpu.dma_semaphore, #tpu.memory_space<semaphore_mem>>
          %dma_start3A_145 = arith.constant 0 : i32
          %dma_start3A_146 = tpu.memref_slice %arg7[%mul3A_144, %dma_start3A_145] : memref<100000x3xf32, #tpu.memory_space<vmem_shared>> -> memref<1000x3xf32, #tpu.memory_space<vmem_shared>>
          %dma_start3A_147 = arith.constant 0 : i32
          %dma_start3A_148 = tpu.memref_slice %arg7[%mul3A_144, %dma_start3A_147] : memref<100000x3xf32, #tpu.memory_space<vmem_shared>> -> memref<1000x3xf32, #tpu.memory_space<vmem_shared>>
          tpu.enqueue_dma source(%arg25 : memref<1000x3xf32, #tpu.memory_space<vmem>>) target(%dma_start3A_148 : memref<1000x3xf32, #tpu.memory_space<vmem_shared>>) target_semaphore(%run_scoped3A : memref<!tpu.dma_semaphore, #tpu.memory_space<semaphore_mem>>)
          %dma_wait3A_149 = arith.constant 0 : i32
          %dma_wait3A_150 = tpu.memref_slice %arg7[%mul3A_144, %dma_wait3A_149] : memref<100000x3xf32, #tpu.memory_space<vmem_shared>> -> memref<1000x3xf32, #tpu.memory_space<vmem_shared>>
          %dma_wait3A_151 = arith.constant 0 : i32
          %dma_wait3A_152 = tpu.memref_slice %arg7[%mul3A_144, %dma_wait3A_151] : memref<100000x3xf32, #tpu.memory_space<vmem_shared>> -> memref<1000x3xf32, #tpu.memory_space<vmem_shared>>
          tpu.wait_dma2 semaphore(%run_scoped3A : memref<!tpu.dma_semaphore, #tpu.memory_space<semaphore_mem>>) src(%arg25 : memref<1000x3xf32, #tpu.memory_space<vmem>>) dst(%dma_wait3A_152 : memref<1000x3xf32, #tpu.memory_space<vmem_shared>>)
          tpu.yield
        }) : () -> ()
        "tpu.region"() ({
          %run_scoped3A = tpu.sem_alloc : memref<!tpu.dma_semaphore, #tpu.memory_space<semaphore_mem>>
          %dma_start3A_145 = arith.constant 0 : i32
          %dma_start3A_146 = tpu.memref_slice %arg3[%mul3A_144, %dma_start3A_145] : memref<100000x3xf32, #tpu.memory_space<hbm>> -> memref<1000x3xf32, #tpu.memory_space<hbm>>
          %dma_start3A_147 = arith.constant 0 : i32
          %dma_start3A_148 = tpu.memref_slice %arg3[%mul3A_144, %dma_start3A_147] : memref<100000x3xf32, #tpu.memory_space<hbm>> -> memref<1000x3xf32, #tpu.memory_space<hbm>>
          tpu.enqueue_dma source(%dma_start3A_148 : memref<1000x3xf32, #tpu.memory_space<hbm>>) target(%arg25 : memref<1000x3xf32, #tpu.memory_space<vmem>>) target_semaphore(%run_scoped3A : memref<!tpu.dma_semaphore, #tpu.memory_space<semaphore_mem>>)
          %dma_wait3A_149 = arith.constant 0 : i32
          %dma_wait3A_150 = tpu.memref_slice %arg3[%mul3A_144, %dma_wait3A_149] : memref<100000x3xf32, #tpu.memory_space<hbm>> -> memref<1000x3xf32, #tpu.memory_space<hbm>>
          %dma_wait3A_151 = arith.constant 0 : i32
          %dma_wait3A_152 = tpu.memref_slice %arg3[%mul3A_144, %dma_wait3A_151] : memref<100000x3xf32, #tpu.memory_space<hbm>> -> memref<1000x3xf32, #tpu.memory_space<hbm>>
          tpu.wait_dma2 semaphore(%run_scoped3A : memref<!tpu.dma_semaphore, #tpu.memory_space<semaphore_mem>>) src(%dma_wait3A_152 : memref<1000x3xf32, #tpu.memory_space<hbm>>) dst(%arg25 : memref<1000x3xf32, #tpu.memory_space<vmem>>)
          tpu.yield
        }) : () -> ()
        "tpu.region"() ({
          %run_scoped3A = tpu.sem_alloc : memref<!tpu.dma_semaphore, #tpu.memory_space<semaphore_mem>>
          %dma_start3A_145 = arith.constant 0 : i32
          %dma_start3A_146 = tpu.memref_slice %arg8[%mul3A_144, %dma_start3A_145] : memref<100000x3xf32, #tpu.memory_space<vmem_shared>> -> memref<1000x3xf32, #tpu.memory_space<vmem_shared>>
          %dma_start3A_147 = arith.constant 0 : i32
          %dma_start3A_148 = tpu.memref_slice %arg8[%mul3A_144, %dma_start3A_147] : memref<100000x3xf32, #tpu.memory_space<vmem_shared>> -> memref<1000x3xf32, #tpu.memory_space<vmem_shared>>
          tpu.enqueue_dma source(%arg25 : memref<1000x3xf32, #tpu.memory_space<vmem>>) target(%dma_start3A_148 : memref<1000x3xf32, #tpu.memory_space<vmem_shared>>) target_semaphore(%run_scoped3A : memref<!tpu.dma_semaphore, #tpu.memory_space<semaphore_mem>>)
          %dma_wait3A_149 = arith.constant 0 : i32
          %dma_wait3A_150 = tpu.memref_slice %arg8[%mul3A_144, %dma_wait3A_149] : memref<100000x3xf32, #tpu.memory_space<vmem_shared>> -> memref<1000x3xf32, #tpu.memory_space<vmem_shared>>
          %dma_wait3A_151 = arith.constant 0 : i32
          %dma_wait3A_152 = tpu.memref_slice %arg8[%mul3A_144, %dma_wait3A_151] : memref<100000x3xf32, #tpu.memory_space<vmem_shared>> -> memref<1000x3xf32, #tpu.memory_space<vmem_shared>>
          tpu.wait_dma2 semaphore(%run_scoped3A : memref<!tpu.dma_semaphore, #tpu.memory_space<semaphore_mem>>) src(%arg25 : memref<1000x3xf32, #tpu.memory_space<vmem>>) dst(%dma_wait3A_152 : memref<1000x3xf32, #tpu.memory_space<vmem_shared>>)
          tpu.yield
        }) : () -> ()
      } else {
      }
      %scan3A_142 = arith.constant 0 : i32
      scf.yield %scan3A_142 : i32
    }
    %scan3A_6 = arith.constant 7 : i32
    %barrier3A = arith.constant 0 : index
    tpu.barrier barrier_id(%barrier3A)
    %mul3A_7 = arith.constant 200000 : i32
    %mul3A_8 = arith.muli %add3A, %mul3A_7 : i32
    %iota3A = tpu.iota {dimensions = array<i32: 0>} : vector<16xi32>
    %broadcast_in_dim3A = arith.constant 0 : i32
    %broadcast_in_dim3A_9 = vector.broadcast %broadcast_in_dim3A : i32 to vector<16xi32>
    %add3A_10 = arith.constant 1 : i32
    %add3A_11 = vector.broadcast %add3A_10 : i32 to vector<16xi32>
    %add3A_12 = arith.addi %broadcast_in_dim3A_9, %add3A_11 : vector<16xi32>
    %add3A_13 = arith.constant 2 : i32
    %add3A_14 = vector.broadcast %add3A_13 : i32 to vector<16xi32>
    %add3A_15 = arith.addi %broadcast_in_dim3A_9, %add3A_14 : vector<16xi32>
    %add3A_16 = arith.constant 0 : i32
    %add3A_17 = arith.addi %mul3A_8, %add3A_16 : i32
    %dma_start3A = arith.constant 0 : i32
    %dma_start3A_18 = tpu.memref_slice %arg4[%dma_start3A, %add3A_17] : memref<2x6400000xi32, #tpu.memory_space<hbm>> -> memref<1x1000xi32, #tpu.memory_space<hbm>>
    %dma_start3A_19 = tpu.memref_squeeze %dma_start3A_18 : memref<1x1000xi32, #tpu.memory_space<hbm>> -> memref<1000xi32, #tpu.memory_space<hbm>>
    %dma_start3A_20 = tpu.memref_slice %arg4[%dma_start3A, %add3A_17] : memref<2x6400000xi32, #tpu.memory_space<hbm>> -> memref<1x1000xi32, #tpu.memory_space<hbm>>
    %dma_start3A_21 = tpu.memref_squeeze %dma_start3A_20 : memref<1x1000xi32, #tpu.memory_space<hbm>> -> memref<1000xi32, #tpu.memory_space<hbm>>
    tpu.enqueue_dma source(%dma_start3A_21 : memref<1000xi32, #tpu.memory_space<hbm>>) target(%arg9 : memref<1000xi32, #tpu.memory_space<vmem>>) target_semaphore(%arg27 : memref<!tpu.dma_semaphore, #tpu.memory_space<semaphore_mem>>)
    %dma_start3A_22 = arith.constant 1 : i32
    %dma_start3A_23 = tpu.memref_slice %arg4[%dma_start3A_22, %add3A_17] : memref<2x6400000xi32, #tpu.memory_space<hbm>> -> memref<1x1000xi32, #tpu.memory_space<hbm>>
    %dma_start3A_24 = tpu.memref_squeeze %dma_start3A_23 : memref<1x1000xi32, #tpu.memory_space<hbm>> -> memref<1000xi32, #tpu.memory_space<hbm>>
    %dma_start3A_25 = tpu.memref_slice %arg4[%dma_start3A_22, %add3A_17] : memref<2x6400000xi32, #tpu.memory_space<hbm>> -> memref<1x1000xi32, #tpu.memory_space<hbm>>
    %dma_start3A_26 = tpu.memref_squeeze %dma_start3A_25 : memref<1x1000xi32, #tpu.memory_space<hbm>> -> memref<1000xi32, #tpu.memory_space<hbm>>
    tpu.enqueue_dma source(%dma_start3A_26 : memref<1000xi32, #tpu.memory_space<hbm>>) target(%arg10 : memref<1000xi32, #tpu.memory_space<vmem>>) target_semaphore(%arg27 : memref<!tpu.dma_semaphore, #tpu.memory_space<semaphore_mem>>)
    %dma_start3A_27 = arith.constant 0 : i32
    %dma_start3A_28 = tpu.memref_slice %arg5[%dma_start3A_27, %add3A_17] : memref<2x6400000xi32, #tpu.memory_space<hbm>> -> memref<1x1000xi32, #tpu.memory_space<hbm>>
    %dma_start3A_29 = tpu.memref_squeeze %dma_start3A_28 : memref<1x1000xi32, #tpu.memory_space<hbm>> -> memref<1000xi32, #tpu.memory_space<hbm>>
    %dma_start3A_30 = tpu.memref_slice %arg5[%dma_start3A_27, %add3A_17] : memref<2x6400000xi32, #tpu.memory_space<hbm>> -> memref<1x1000xi32, #tpu.memory_space<hbm>>
    %dma_start3A_31 = tpu.memref_squeeze %dma_start3A_30 : memref<1x1000xi32, #tpu.memory_space<hbm>> -> memref<1000xi32, #tpu.memory_space<hbm>>
    tpu.enqueue_dma source(%dma_start3A_31 : memref<1000xi32, #tpu.memory_space<hbm>>) target(%arg11 : memref<1000xi32, #tpu.memory_space<vmem>>) target_semaphore(%arg27 : memref<!tpu.dma_semaphore, #tpu.memory_space<semaphore_mem>>)
    %dma_start3A_32 = arith.constant 1 : i32
    %dma_start3A_33 = tpu.memref_slice %arg5[%dma_start3A_32, %add3A_17] : memref<2x6400000xi32, #tpu.memory_space<hbm>> -> memref<1x1000xi32, #tpu.memory_space<hbm>>
    %dma_start3A_34 = tpu.memref_squeeze %dma_start3A_33 : memref<1x1000xi32, #tpu.memory_space<hbm>> -> memref<1000xi32, #tpu.memory_space<hbm>>
    %dma_start3A_35 = tpu.memref_slice %arg5[%dma_start3A_32, %add3A_17] : memref<2x6400000xi32, #tpu.memory_space<hbm>> -> memref<1x1000xi32, #tpu.memory_space<hbm>>
    %dma_start3A_36 = tpu.memref_squeeze %dma_start3A_35 : memref<1x1000xi32, #tpu.memory_space<hbm>> -> memref<1000xi32, #tpu.memory_space<hbm>>
    tpu.enqueue_dma source(%dma_start3A_36 : memref<1000xi32, #tpu.memory_space<hbm>>) target(%arg12 : memref<1000xi32, #tpu.memory_space<vmem>>) target_semaphore(%arg27 : memref<!tpu.dma_semaphore, #tpu.memory_space<semaphore_mem>>)
    %add3A_37 = arith.constant 0 : i32
    %add3A_38 = arith.addi %mul3A_8, %add3A_37 : i32
    %dma_wait3A = arith.constant 0 : i32
    %dma_wait3A_39 = tpu.memref_slice %arg4[%dma_wait3A, %add3A_38] : memref<2x6400000xi32, #tpu.memory_space<hbm>> -> memref<1x1000xi32, #tpu.memory_space<hbm>>
    %dma_wait3A_40 = tpu.memref_squeeze %dma_wait3A_39 : memref<1x1000xi32, #tpu.memory_space<hbm>> -> memref<1000xi32, #tpu.memory_space<hbm>>
    %dma_wait3A_41 = tpu.memref_slice %arg4[%dma_wait3A, %add3A_38] : memref<2x6400000xi32, #tpu.memory_space<hbm>> -> memref<1x1000xi32, #tpu.memory_space<hbm>>
    %dma_wait3A_42 = tpu.memref_squeeze %dma_wait3A_41 : memref<1x1000xi32, #tpu.memory_space<hbm>> -> memref<1000xi32, #tpu.memory_space<hbm>>
    tpu.wait_dma2 semaphore(%arg27 : memref<!tpu.dma_semaphore, #tpu.memory_space<semaphore_mem>>) src(%dma_wait3A_42 : memref<1000xi32, #tpu.memory_space<hbm>>) dst(%arg9 : memref<1000xi32, #tpu.memory_space<vmem>>)
    %dma_wait3A_43 = arith.constant 1 : i32
    %dma_wait3A_44 = tpu.memref_slice %arg4[%dma_wait3A_43, %add3A_38] : memref<2x6400000xi32, #tpu.memory_space<hbm>> -> memref<1x1000xi32, #tpu.memory_space<hbm>>
    %dma_wait3A_45 = tpu.memref_squeeze %dma_wait3A_44 : memref<1x1000xi32, #tpu.memory_space<hbm>> -> memref<1000xi32, #tpu.memory_space<hbm>>
    %dma_wait3A_46 = tpu.memref_slice %arg4[%dma_wait3A_43, %add3A_38] : memref<2x6400000xi32, #tpu.memory_space<hbm>> -> memref<1x1000xi32, #tpu.memory_space<hbm>>
    %dma_wait3A_47 = tpu.memref_squeeze %dma_wait3A_46 : memref<1x1000xi32, #tpu.memory_space<hbm>> -> memref<1000xi32, #tpu.memory_space<hbm>>
    tpu.wait_dma2 semaphore(%arg27 : memref<!tpu.dma_semaphore, #tpu.memory_space<semaphore_mem>>) src(%dma_wait3A_47 : memref<1000xi32, #tpu.memory_space<hbm>>) dst(%arg10 : memref<1000xi32, #tpu.memory_space<vmem>>)
    %dma_wait3A_48 = arith.constant 0 : i32
    %dma_wait3A_49 = tpu.memref_slice %arg5[%dma_wait3A_48, %add3A_38] : memref<2x6400000xi32, #tpu.memory_space<hbm>> -> memref<1x1000xi32, #tpu.memory_space<hbm>>
    %dma_wait3A_50 = tpu.memref_squeeze %dma_wait3A_49 : memref<1x1000xi32, #tpu.memory_space<hbm>> -> memref<1000xi32, #tpu.memory_space<hbm>>
    %dma_wait3A_51 = tpu.memref_slice %arg5[%dma_wait3A_48, %add3A_38] : memref<2x6400000xi32, #tpu.memory_space<hbm>> -> memref<1x1000xi32, #tpu.memory_space<hbm>>
    %dma_wait3A_52 = tpu.memref_squeeze %dma_wait3A_51 : memref<1x1000xi32, #tpu.memory_space<hbm>> -> memref<1000xi32, #tpu.memory_space<hbm>>
    tpu.wait_dma2 semaphore(%arg27 : memref<!tpu.dma_semaphore, #tpu.memory_space<semaphore_mem>>) src(%dma_wait3A_52 : memref<1000xi32, #tpu.memory_space<hbm>>) dst(%arg11 : memref<1000xi32, #tpu.memory_space<vmem>>)
    %dma_wait3A_53 = arith.constant 1 : i32
    %dma_wait3A_54 = tpu.memref_slice %arg5[%dma_wait3A_53, %add3A_38] : memref<2x6400000xi32, #tpu.memory_space<hbm>> -> memref<1x1000xi32, #tpu.memory_space<hbm>>
    %dma_wait3A_55 = tpu.memref_squeeze %dma_wait3A_54 : memref<1x1000xi32, #tpu.memory_space<hbm>> -> memref<1000xi32, #tpu.memory_space<hbm>>
    %dma_wait3A_56 = tpu.memref_slice %arg5[%dma_wait3A_53, %add3A_38] : memref<2x6400000xi32, #tpu.memory_space<hbm>> -> memref<1x1000xi32, #tpu.memory_space<hbm>>
    %dma_wait3A_57 = tpu.memref_squeeze %dma_wait3A_56 : memref<1x1000xi32, #tpu.memory_space<hbm>> -> memref<1000xi32, #tpu.memory_space<hbm>>
    tpu.wait_dma2 semaphore(%arg27 : memref<!tpu.dma_semaphore, #tpu.memory_space<semaphore_mem>>) src(%dma_wait3A_57 : memref<1000xi32, #tpu.memory_space<hbm>>) dst(%arg12 : memref<1000xi32, #tpu.memory_space<vmem>>)
    %dma_start3A_58 = arith.constant 0 : i32
    %dma_start3A_59 = arith.constant 0 : i32
    %dma_start3A_60 = tpu.memref_slice %arg7[%dma_start3A_58, %dma_start3A_59] : memref<100000x3xf32, #tpu.memory_space<vmem_shared>> -> memref<100000x3xf32, #tpu.memory_space<vmem_shared>>
    tpu.enqueue_indirect_dma source(%dma_start3A_60 : memref<100000x3xf32, #tpu.memory_space<vmem_shared>>) target(%arg17 : memref<1000x3xf32, #tpu.memory_space<vmem>>) offsets(%arg9 : memref<1000xi32, #tpu.memory_space<vmem>>) semaphore(%arg28 : memref<!tpu.dma_semaphore, #tpu.memory_space<semaphore_mem>>)
    %dma_start3A_61 = arith.constant 0 : i32
    %dma_start3A_62 = arith.constant 0 : i32
    %dma_start3A_63 = tpu.memref_slice %arg7[%dma_start3A_61, %dma_start3A_62] : memref<100000x3xf32, #tpu.memory_space<vmem_shared>> -> memref<100000x3xf32, #tpu.memory_space<vmem_shared>>
    tpu.enqueue_indirect_dma source(%dma_start3A_63 : memref<100000x3xf32, #tpu.memory_space<vmem_shared>>) target(%arg18 : memref<1000x3xf32, #tpu.memory_space<vmem>>) offsets(%arg10 : memref<1000xi32, #tpu.memory_space<vmem>>) semaphore(%arg28 : memref<!tpu.dma_semaphore, #tpu.memory_space<semaphore_mem>>)
    %dma_start3A_64 = arith.constant 0 : i32
    %dma_start3A_65 = arith.constant 0 : i32
    %dma_start3A_66 = tpu.memref_slice %arg8[%dma_start3A_64, %dma_start3A_65] : memref<100000x3xf32, #tpu.memory_space<vmem_shared>> -> memref<100000x3xf32, #tpu.memory_space<vmem_shared>>
    tpu.enqueue_indirect_dma source(%dma_start3A_66 : memref<100000x3xf32, #tpu.memory_space<vmem_shared>>) target(%arg19 : memref<1000x3xf32, #tpu.memory_space<vmem>>) offsets(%arg11 : memref<1000xi32, #tpu.memory_space<vmem>>) semaphore(%arg28 : memref<!tpu.dma_semaphore, #tpu.memory_space<semaphore_mem>>)
    %dma_start3A_67 = arith.constant 0 : i32
    %dma_start3A_68 = arith.constant 0 : i32
    %dma_start3A_69 = tpu.memref_slice %arg8[%dma_start3A_67, %dma_start3A_68] : memref<100000x3xf32, #tpu.memory_space<vmem_shared>> -> memref<100000x3xf32, #tpu.memory_space<vmem_shared>>
    tpu.enqueue_indirect_dma source(%dma_start3A_69 : memref<100000x3xf32, #tpu.memory_space<vmem_shared>>) target(%arg20 : memref<1000x3xf32, #tpu.memory_space<vmem>>) offsets(%arg12 : memref<1000xi32, #tpu.memory_space<vmem>>) semaphore(%arg28 : memref<!tpu.dma_semaphore, #tpu.memory_space<semaphore_mem>>)
    %add3A_70 = arith.constant 1000 : i32
    %add3A_71 = arith.addi %mul3A_8, %add3A_70 : i32
    %dma_start3A_72 = arith.constant 0 : i32
    %dma_start3A_73 = tpu.memref_slice %arg4[%dma_start3A_72, %add3A_71] : memref<2x6400000xi32, #tpu.memory_space<hbm>> -> memref<1x1000xi32, #tpu.memory_space<hbm>>
    %dma_start3A_74 = tpu.memref_squeeze %dma_start3A_73 : memref<1x1000xi32, #tpu.memory_space<hbm>> -> memref<1000xi32, #tpu.memory_space<hbm>>
    %dma_start3A_75 = tpu.memref_slice %arg4[%dma_start3A_72, %add3A_71] : memref<2x6400000xi32, #tpu.memory_space<hbm>> -> memref<1x1000xi32, #tpu.memory_space<hbm>>
    %dma_start3A_76 = tpu.memref_squeeze %dma_start3A_75 : memref<1x1000xi32, #tpu.memory_space<hbm>> -> memref<1000xi32, #tpu.memory_space<hbm>>
    tpu.enqueue_dma source(%dma_start3A_76 : memref<1000xi32, #tpu.memory_space<hbm>>) target(%arg13 : memref<1000xi32, #tpu.memory_space<vmem>>) target_semaphore(%arg27 : memref<!tpu.dma_semaphore, #tpu.memory_space<semaphore_mem>>)
    %dma_start3A_77 = arith.constant 1 : i32
    %dma_start3A_78 = tpu.memref_slice %arg4[%dma_start3A_77, %add3A_71] : memref<2x6400000xi32, #tpu.memory_space<hbm>> -> memref<1x1000xi32, #tpu.memory_space<hbm>>
    %dma_start3A_79 = tpu.memref_squeeze %dma_start3A_78 : memref<1x1000xi32, #tpu.memory_space<hbm>> -> memref<1000xi32, #tpu.memory_space<hbm>>
    %dma_start3A_80 = tpu.memref_slice %arg4[%dma_start3A_77, %add3A_71] : memref<2x6400000xi32, #tpu.memory_space<hbm>> -> memref<1x1000xi32, #tpu.memory_space<hbm>>
    %dma_start3A_81 = tpu.memref_squeeze %dma_start3A_80 : memref<1x1000xi32, #tpu.memory_space<hbm>> -> memref<1000xi32, #tpu.memory_space<hbm>>
    tpu.enqueue_dma source(%dma_start3A_81 : memref<1000xi32, #tpu.memory_space<hbm>>) target(%arg14 : memref<1000xi32, #tpu.memory_space<vmem>>) target_semaphore(%arg27 : memref<!tpu.dma_semaphore, #tpu.memory_space<semaphore_mem>>)
    %dma_start3A_82 = arith.constant 0 : i32
    %dma_start3A_83 = tpu.memref_slice %arg5[%dma_start3A_82, %add3A_71] : memref<2x6400000xi32, #tpu.memory_space<hbm>> -> memref<1x1000xi32, #tpu.memory_space<hbm>>
    %dma_start3A_84 = tpu.memref_squeeze %dma_start3A_83 : memref<1x1000xi32, #tpu.memory_space<hbm>> -> memref<1000xi32, #tpu.memory_space<hbm>>
    %dma_start3A_85 = tpu.memref_slice %arg5[%dma_start3A_82, %add3A_71] : memref<2x6400000xi32, #tpu.memory_space<hbm>> -> memref<1x1000xi32, #tpu.memory_space<hbm>>
    %dma_start3A_86 = tpu.memref_squeeze %dma_start3A_85 : memref<1x1000xi32, #tpu.memory_space<hbm>> -> memref<1000xi32, #tpu.memory_space<hbm>>
    tpu.enqueue_dma source(%dma_start3A_86 : memref<1000xi32, #tpu.memory_space<hbm>>) target(%arg15 : memref<1000xi32, #tpu.memory_space<vmem>>) target_semaphore(%arg27 : memref<!tpu.dma_semaphore, #tpu.memory_space<semaphore_mem>>)
    %dma_start3A_87 = arith.constant 1 : i32
    %dma_start3A_88 = tpu.memref_slice %arg5[%dma_start3A_87, %add3A_71] : memref<2x6400000xi32, #tpu.memory_space<hbm>> -> memref<1x1000xi32, #tpu.memory_space<hbm>>
    %dma_start3A_89 = tpu.memref_squeeze %dma_start3A_88 : memref<1x1000xi32, #tpu.memory_space<hbm>> -> memref<1000xi32, #tpu.memory_space<hbm>>
    %dma_start3A_90 = tpu.memref_slice %arg5[%dma_start3A_87, %add3A_71] : memref<2x6400000xi32, #tpu.memory_space<hbm>> -> memref<1x1000xi32, #tpu.memory_space<hbm>>
    %dma_start3A_91 = tpu.memref_squeeze %dma_start3A_90 : memref<1x1000xi32, #tpu.memory_space<hbm>> -> memref<1000xi32, #tpu.memory_space<hbm>>
    tpu.enqueue_dma source(%dma_start3A_91 : memref<1000xi32, #tpu.memory_space<hbm>>) target(%arg16 : memref<1000xi32, #tpu.memory_space<vmem>>) target_semaphore(%arg27 : memref<!tpu.dma_semaphore, #tpu.memory_space<semaphore_mem>>)
    %broadcast_in_dim3A_92 = arith.constant 0.000000e+00 : f32
    %broadcast_in_dim3A_93 = vector.broadcast %broadcast_in_dim3A_92 : f32 to vector<16xf32>
    %scan3A_94 = arith.constant 0 : i32
    %scan3A_95 = arith.constant 100 : i32
    %scan3A_96 = arith.addi %scan3A_94, %scan3A_95 : i32
    %scan3A_97 = arith.constant 1 : i32
    %scan3A_98 = scf.for %scan3A_135 = %scan3A_94 to %scan3A_96 step %scan3A_97 iter_args(%scan3A_136 = %broadcast_in_dim3A_93) -> (vector<16xf32>)  : i32 {
      %mul3A_137 = arith.constant 2 : i32
      %mul3A_138 = arith.muli %scan3A_135, %mul3A_137 : i32
      %add3A_139 = arith.constant 1 : i32
      %add3A_140 = arith.addi %mul3A_138, %add3A_139 : i32
      %mul3A_141 = arith.constant 1000 : i32
      %mul3A_142 = arith.muli %add3A_140, %mul3A_141 : i32
      %add3A_143 = arith.addi %mul3A_8, %mul3A_142 : i32
      %dma_wait3A_144 = arith.constant 0 : i32
      %dma_wait3A_145 = tpu.memref_slice %arg4[%dma_wait3A_144, %add3A_143] : memref<2x6400000xi32, #tpu.memory_space<hbm>> -> memref<1x1000xi32, #tpu.memory_space<hbm>>
      %dma_wait3A_146 = tpu.memref_squeeze %dma_wait3A_145 : memref<1x1000xi32, #tpu.memory_space<hbm>> -> memref<1000xi32, #tpu.memory_space<hbm>>
      %dma_wait3A_147 = tpu.memref_slice %arg4[%dma_wait3A_144, %add3A_143] : memref<2x6400000xi32, #tpu.memory_space<hbm>> -> memref<1x1000xi32, #tpu.memory_space<hbm>>
      %dma_wait3A_148 = tpu.memref_squeeze %dma_wait3A_147 : memref<1x1000xi32, #tpu.memory_space<hbm>> -> memref<1000xi32, #tpu.memory_space<hbm>>
      tpu.wait_dma2 semaphore(%arg27 : memref<!tpu.dma_semaphore, #tpu.memory_space<semaphore_mem>>) src(%dma_wait3A_148 : memref<1000xi32, #tpu.memory_space<hbm>>) dst(%arg13 : memref<1000xi32, #tpu.memory_space<vmem>>)
      %dma_wait3A_149 = arith.constant 1 : i32
      %dma_wait3A_150 = tpu.memref_slice %arg4[%dma_wait3A_149, %add3A_143] : memref<2x6400000xi32, #tpu.memory_space<hbm>> -> memref<1x1000xi32, #tpu.memory_space<hbm>>
      %dma_wait3A_151 = tpu.memref_squeeze %dma_wait3A_150 : memref<1x1000xi32, #tpu.memory_space<hbm>> -> memref<1000xi32, #tpu.memory_space<hbm>>
      %dma_wait3A_152 = tpu.memref_slice %arg4[%dma_wait3A_149, %add3A_143] : memref<2x6400000xi32, #tpu.memory_space<hbm>> -> memref<1x1000xi32, #tpu.memory_space<hbm>>
      %dma_wait3A_153 = tpu.memref_squeeze %dma_wait3A_152 : memref<1x1000xi32, #tpu.memory_space<hbm>> -> memref<1000xi32, #tpu.memory_space<hbm>>
      tpu.wait_dma2 semaphore(%arg27 : memref<!tpu.dma_semaphore, #tpu.memory_space<semaphore_mem>>) src(%dma_wait3A_153 : memref<1000xi32, #tpu.memory_space<hbm>>) dst(%arg14 : memref<1000xi32, #tpu.memory_space<vmem>>)
      %dma_wait3A_154 = arith.constant 0 : i32
      %dma_wait3A_155 = tpu.memref_slice %arg5[%dma_wait3A_154, %add3A_143] : memref<2x6400000xi32, #tpu.memory_space<hbm>> -> memref<1x1000xi32, #tpu.memory_space<hbm>>
      %dma_wait3A_156 = tpu.memref_squeeze %dma_wait3A_155 : memref<1x1000xi32, #tpu.memory_space<hbm>> -> memref<1000xi32, #tpu.memory_space<hbm>>
      %dma_wait3A_157 = tpu.memref_slice %arg5[%dma_wait3A_154, %add3A_143] : memref<2x6400000xi32, #tpu.memory_space<hbm>> -> memref<1x1000xi32, #tpu.memory_space<hbm>>
      %dma_wait3A_158 = tpu.memref_squeeze %dma_wait3A_157 : memref<1x1000xi32, #tpu.memory_space<hbm>> -> memref<1000xi32, #tpu.memory_space<hbm>>
      tpu.wait_dma2 semaphore(%arg27 : memref<!tpu.dma_semaphore, #tpu.memory_space<semaphore_mem>>) src(%dma_wait3A_158 : memref<1000xi32, #tpu.memory_space<hbm>>) dst(%arg15 : memref<1000xi32, #tpu.memory_space<vmem>>)
      %dma_wait3A_159 = arith.constant 1 : i32
      %dma_wait3A_160 = tpu.memref_slice %arg5[%dma_wait3A_159, %add3A_143] : memref<2x6400000xi32, #tpu.memory_space<hbm>> -> memref<1x1000xi32, #tpu.memory_space<hbm>>
      %dma_wait3A_161 = tpu.memref_squeeze %dma_wait3A_160 : memref<1x1000xi32, #tpu.memory_space<hbm>> -> memref<1000xi32, #tpu.memory_space<hbm>>
      %dma_wait3A_162 = tpu.memref_slice %arg5[%dma_wait3A_159, %add3A_143] : memref<2x6400000xi32, #tpu.memory_space<hbm>> -> memref<1x1000xi32, #tpu.memory_space<hbm>>
      %dma_wait3A_163 = tpu.memref_squeeze %dma_wait3A_162 : memref<1x1000xi32, #tpu.memory_space<hbm>> -> memref<1000xi32, #tpu.memory_space<hbm>>
      tpu.wait_dma2 semaphore(%arg27 : memref<!tpu.dma_semaphore, #tpu.memory_space<semaphore_mem>>) src(%dma_wait3A_163 : memref<1000xi32, #tpu.memory_space<hbm>>) dst(%arg16 : memref<1000xi32, #tpu.memory_space<vmem>>)
      %dma_wait3A_164 = arith.constant 0 : i32
      %dma_wait3A_165 = arith.constant 0 : i32
      %dma_wait3A_166 = tpu.memref_slice %arg7[%dma_wait3A_164, %dma_wait3A_165] : memref<100000x3xf32, #tpu.memory_space<vmem_shared>> -> memref<100000x3xf32, #tpu.memory_space<vmem_shared>>
      tpu.wait_indirect_dma semaphore(%arg28 : memref<!tpu.dma_semaphore, #tpu.memory_space<semaphore_mem>>) src(%dma_wait3A_166 : memref<100000x3xf32, #tpu.memory_space<vmem_shared>>) dst(%arg17 : memref<1000x3xf32, #tpu.memory_space<vmem>>)
      %dma_wait3A_167 = arith.constant 0 : i32
      %dma_wait3A_168 = arith.constant 0 : i32
      %dma_wait3A_169 = tpu.memref_slice %arg7[%dma_wait3A_167, %dma_wait3A_168] : memref<100000x3xf32, #tpu.memory_space<vmem_shared>> -> memref<100000x3xf32, #tpu.memory_space<vmem_shared>>
      tpu.wait_indirect_dma semaphore(%arg28 : memref<!tpu.dma_semaphore, #tpu.memory_space<semaphore_mem>>) src(%dma_wait3A_169 : memref<100000x3xf32, #tpu.memory_space<vmem_shared>>) dst(%arg18 : memref<1000x3xf32, #tpu.memory_space<vmem>>)
      %dma_wait3A_170 = arith.constant 0 : i32
      %dma_wait3A_171 = arith.constant 0 : i32
      %dma_wait3A_172 = tpu.memref_slice %arg8[%dma_wait3A_170, %dma_wait3A_171] : memref<100000x3xf32, #tpu.memory_space<vmem_shared>> -> memref<100000x3xf32, #tpu.memory_space<vmem_shared>>
      tpu.wait_indirect_dma semaphore(%arg28 : memref<!tpu.dma_semaphore, #tpu.memory_space<semaphore_mem>>) src(%dma_wait3A_172 : memref<100000x3xf32, #tpu.memory_space<vmem_shared>>) dst(%arg19 : memref<1000x3xf32, #tpu.memory_space<vmem>>)
      %dma_wait3A_173 = arith.constant 0 : i32
      %dma_wait3A_174 = arith.constant 0 : i32
      %dma_wait3A_175 = tpu.memref_slice %arg8[%dma_wait3A_173, %dma_wait3A_174] : memref<100000x3xf32, #tpu.memory_space<vmem_shared>> -> memref<100000x3xf32, #tpu.memory_space<vmem_shared>>
      tpu.wait_indirect_dma semaphore(%arg28 : memref<!tpu.dma_semaphore, #tpu.memory_space<semaphore_mem>>) src(%dma_wait3A_175 : memref<100000x3xf32, #tpu.memory_space<vmem_shared>>) dst(%arg20 : memref<1000x3xf32, #tpu.memory_space<vmem>>)
      %dma_start3A_176 = arith.constant 0 : i32
      %dma_start3A_177 = arith.constant 0 : i32
      %dma_start3A_178 = tpu.memref_slice %arg7[%dma_start3A_176, %dma_start3A_177] : memref<100000x3xf32, #tpu.memory_space<vmem_shared>> -> memref<100000x3xf32, #tpu.memory_space<vmem_shared>>
      tpu.enqueue_indirect_dma source(%dma_start3A_178 : memref<100000x3xf32, #tpu.memory_space<vmem_shared>>) target(%arg21 : memref<1000x3xf32, #tpu.memory_space<vmem>>) offsets(%arg13 : memref<1000xi32, #tpu.memory_space<vmem>>) semaphore(%arg28 : memref<!tpu.dma_semaphore, #tpu.memory_space<semaphore_mem>>)
      %dma_start3A_179 = arith.constant 0 : i32
      %dma_start3A_180 = arith.constant 0 : i32
      %dma_start3A_181 = tpu.memref_slice %arg7[%dma_start3A_179, %dma_start3A_180] : memref<100000x3xf32, #tpu.memory_space<vmem_shared>> -> memref<100000x3xf32, #tpu.memory_space<vmem_shared>>
      tpu.enqueue_indirect_dma source(%dma_start3A_181 : memref<100000x3xf32, #tpu.memory_space<vmem_shared>>) target(%arg22 : memref<1000x3xf32, #tpu.memory_space<vmem>>) offsets(%arg14 : memref<1000xi32, #tpu.memory_space<vmem>>) semaphore(%arg28 : memref<!tpu.dma_semaphore, #tpu.memory_space<semaphore_mem>>)
      %dma_start3A_182 = arith.constant 0 : i32
      %dma_start3A_183 = arith.constant 0 : i32
      %dma_start3A_184 = tpu.memref_slice %arg8[%dma_start3A_182, %dma_start3A_183] : memref<100000x3xf32, #tpu.memory_space<vmem_shared>> -> memref<100000x3xf32, #tpu.memory_space<vmem_shared>>
      tpu.enqueue_indirect_dma source(%dma_start3A_184 : memref<100000x3xf32, #tpu.memory_space<vmem_shared>>) target(%arg23 : memref<1000x3xf32, #tpu.memory_space<vmem>>) offsets(%arg15 : memref<1000xi32, #tpu.memory_space<vmem>>) semaphore(%arg28 : memref<!tpu.dma_semaphore, #tpu.memory_space<semaphore_mem>>)
      %dma_start3A_185 = arith.constant 0 : i32
      %dma_start3A_186 = arith.constant 0 : i32
      %dma_start3A_187 = tpu.memref_slice %arg8[%dma_start3A_185, %dma_start3A_186] : memref<100000x3xf32, #tpu.memory_space<vmem_shared>> -> memref<100000x3xf32, #tpu.memory_space<vmem_shared>>
      tpu.enqueue_indirect_dma source(%dma_start3A_187 : memref<100000x3xf32, #tpu.memory_space<vmem_shared>>) target(%arg24 : memref<1000x3xf32, #tpu.memory_space<vmem>>) offsets(%arg16 : memref<1000xi32, #tpu.memory_space<vmem>>) semaphore(%arg28 : memref<!tpu.dma_semaphore, #tpu.memory_space<semaphore_mem>>)
      %add3A_188 = arith.constant 2 : i32
      %add3A_189 = arith.addi %mul3A_138, %add3A_188 : i32
      %min3A = arith.constant 198 : i32
      %min3A_190 = arith.minsi %add3A_189, %min3A : i32
      %mul3A_191 = arith.constant 1000 : i32
      %mul3A_192 = arith.muli %min3A_190, %mul3A_191 : i32
      %add3A_193 = arith.addi %mul3A_8, %mul3A_192 : i32
      %dma_start3A_194 = arith.constant 0 : i32
      %dma_start3A_195 = tpu.memref_slice %arg4[%dma_start3A_194, %add3A_193] : memref<2x6400000xi32, #tpu.memory_space<hbm>> -> memref<1x1000xi32, #tpu.memory_space<hbm>>
      %dma_start3A_196 = tpu.memref_squeeze %dma_start3A_195 : memref<1x1000xi32, #tpu.memory_space<hbm>> -> memref<1000xi32, #tpu.memory_space<hbm>>
      %dma_start3A_197 = tpu.memref_slice %arg4[%dma_start3A_194, %add3A_193] : memref<2x6400000xi32, #tpu.memory_space<hbm>> -> memref<1x1000xi32, #tpu.memory_space<hbm>>
      %dma_start3A_198 = tpu.memref_squeeze %dma_start3A_197 : memref<1x1000xi32, #tpu.memory_space<hbm>> -> memref<1000xi32, #tpu.memory_space<hbm>>
      tpu.enqueue_dma source(%dma_start3A_198 : memref<1000xi32, #tpu.memory_space<hbm>>) target(%arg9 : memref<1000xi32, #tpu.memory_space<vmem>>) target_semaphore(%arg27 : memref<!tpu.dma_semaphore, #tpu.memory_space<semaphore_mem>>)
      %dma_start3A_199 = arith.constant 1 : i32
      %dma_start3A_200 = tpu.memref_slice %arg4[%dma_start3A_199, %add3A_193] : memref<2x6400000xi32, #tpu.memory_space<hbm>> -> memref<1x1000xi32, #tpu.memory_space<hbm>>
      %dma_start3A_201 = tpu.memref_squeeze %dma_start3A_200 : memref<1x1000xi32, #tpu.memory_space<hbm>> -> memref<1000xi32, #tpu.memory_space<hbm>>
      %dma_start3A_202 = tpu.memref_slice %arg4[%dma_start3A_199, %add3A_193] : memref<2x6400000xi32, #tpu.memory_space<hbm>> -> memref<1x1000xi32, #tpu.memory_space<hbm>>
      %dma_start3A_203 = tpu.memref_squeeze %dma_start3A_202 : memref<1x1000xi32, #tpu.memory_space<hbm>> -> memref<1000xi32, #tpu.memory_space<hbm>>
      tpu.enqueue_dma source(%dma_start3A_203 : memref<1000xi32, #tpu.memory_space<hbm>>) target(%arg10 : memref<1000xi32, #tpu.memory_space<vmem>>) target_semaphore(%arg27 : memref<!tpu.dma_semaphore, #tpu.memory_space<semaphore_mem>>)
      %dma_start3A_204 = arith.constant 0 : i32
      %dma_start3A_205 = tpu.memref_slice %arg5[%dma_start3A_204, %add3A_193] : memref<2x6400000xi32, #tpu.memory_space<hbm>> -> memref<1x1000xi32, #tpu.memory_space<hbm>>
      %dma_start3A_206 = tpu.memref_squeeze %dma_start3A_205 : memref<1x1000xi32, #tpu.memory_space<hbm>> -> memref<1000xi32, #tpu.memory_space<hbm>>
      %dma_start3A_207 = tpu.memref_slice %arg5[%dma_start3A_204, %add3A_193] : memref<2x6400000xi32, #tpu.memory_space<hbm>> -> memref<1x1000xi32, #tpu.memory_space<hbm>>
      %dma_start3A_208 = tpu.memref_squeeze %dma_start3A_207 : memref<1x1000xi32, #tpu.memory_space<hbm>> -> memref<1000xi32, #tpu.memory_space<hbm>>
      tpu.enqueue_dma source(%dma_start3A_208 : memref<1000xi32, #tpu.memory_space<hbm>>) target(%arg11 : memref<1000xi32, #tpu.memory_space<vmem>>) target_semaphore(%arg27 : memref<!tpu.dma_semaphore, #tpu.memory_space<semaphore_mem>>)
      %dma_start3A_209 = arith.constant 1 : i32
      %dma_start3A_210 = tpu.memref_slice %arg5[%dma_start3A_209, %add3A_193] : memref<2x6400000xi32, #tpu.memory_space<hbm>> -> memref<1x1000xi32, #tpu.memory_space<hbm>>
      %dma_start3A_211 = tpu.memref_squeeze %dma_start3A_210 : memref<1x1000xi32, #tpu.memory_space<hbm>> -> memref<1000xi32, #tpu.memory_space<hbm>>
      %dma_start3A_212 = tpu.memref_slice %arg5[%dma_start3A_209, %add3A_193] : memref<2x6400000xi32, #tpu.memory_space<hbm>> -> memref<1x1000xi32, #tpu.memory_space<hbm>>
      %dma_start3A_213 = tpu.memref_squeeze %dma_start3A_212 : memref<1x1000xi32, #tpu.memory_space<hbm>> -> memref<1000xi32, #tpu.memory_space<hbm>>
      tpu.enqueue_dma source(%dma_start3A_213 : memref<1000xi32, #tpu.memory_space<hbm>>) target(%arg12 : memref<1000xi32, #tpu.memory_space<vmem>>) target_semaphore(%arg27 : memref<!tpu.dma_semaphore, #tpu.memory_space<semaphore_mem>>)
      %scan3A_214 = arith.constant 0 : i32
      %scan3A_215 = arith.constant 62 : i32
      %scan3A_216 = arith.addi %scan3A_214, %scan3A_215 : i32
      %scan3A_217 = arith.constant 1 : i32
      %scan3A_218 = scf.for %scan3A_300 = %scan3A_214 to %scan3A_216 step %scan3A_217 iter_args(%scan3A_301 = %scan3A_136) -> (vector<16xf32>)  : i32 {
        %mul3A_302 = arith.constant 16 : i32
        %mul3A_303 = arith.muli %scan3A_300, %mul3A_302 : i32
        %add3A_304 = vector.broadcast %mul3A_303 : i32 to vector<16xi32>
        %add3A_305 = arith.addi %add3A_304, %iota3A : vector<16xi32>
        %gather3A = tpu.vector_load_idx %arg17[%add3A_305, %broadcast_in_dim3A_9] : memref<1000x3xf32, #tpu.memory_space<vmem>>[vector<16xi32>, vector<16xi32>], vector<16xf32>,
        %gather3A_306 = tpu.vector_load_idx %arg17[%add3A_305, %add3A_12] : memref<1000x3xf32, #tpu.memory_space<vmem>>[vector<16xi32>, vector<16xi32>], vector<16xf32>,
        %gather3A_307 = tpu.vector_load_idx %arg17[%add3A_305, %add3A_15] : memref<1000x3xf32, #tpu.memory_space<vmem>>[vector<16xi32>, vector<16xi32>], vector<16xf32>,
        %gather3A_308 = tpu.vector_load_idx %arg18[%add3A_305, %broadcast_in_dim3A_9] : memref<1000x3xf32, #tpu.memory_space<vmem>>[vector<16xi32>, vector<16xi32>], vector<16xf32>,
        %gather3A_309 = tpu.vector_load_idx %arg18[%add3A_305, %add3A_12] : memref<1000x3xf32, #tpu.memory_space<vmem>>[vector<16xi32>, vector<16xi32>], vector<16xf32>,
        %gather3A_310 = tpu.vector_load_idx %arg18[%add3A_305, %add3A_15] : memref<1000x3xf32, #tpu.memory_space<vmem>>[vector<16xi32>, vector<16xi32>], vector<16xf32>,
        %sub3A = arith.subf %gather3A, %gather3A_308 : vector<16xf32>
        %sub3A_311 = arith.subf %gather3A_306, %gather3A_309 : vector<16xf32>
        %sub3A_312 = arith.subf %gather3A_307, %gather3A_310 : vector<16xf32>
        %mul3A_313 = arith.mulf %sub3A, %sub3A : vector<16xf32>
        %mul3A_314 = arith.mulf %sub3A_311, %sub3A_311 : vector<16xf32>
        %add3A_315 = arith.addf %mul3A_313, %mul3A_314 : vector<16xf32>
        %mul3A_316 = arith.mulf %sub3A_312, %sub3A_312 : vector<16xf32>
        %add3A_317 = arith.addf %add3A_315, %mul3A_316 : vector<16xf32>
        %gather3A_318 = tpu.vector_load_idx %arg19[%add3A_305, %broadcast_in_dim3A_9] : memref<1000x3xf32, #tpu.memory_space<vmem>>[vector<16xi32>, vector<16xi32>], vector<16xf32>,
        %gather3A_319 = tpu.vector_load_idx %arg19[%add3A_305, %add3A_12] : memref<1000x3xf32, #tpu.memory_space<vmem>>[vector<16xi32>, vector<16xi32>], vector<16xf32>,
        %gather3A_320 = tpu.vector_load_idx %arg19[%add3A_305, %add3A_15] : memref<1000x3xf32, #tpu.memory_space<vmem>>[vector<16xi32>, vector<16xi32>], vector<16xf32>,
        %gather3A_321 = tpu.vector_load_idx %arg20[%add3A_305, %broadcast_in_dim3A_9] : memref<1000x3xf32, #tpu.memory_space<vmem>>[vector<16xi32>, vector<16xi32>], vector<16xf32>,
        %gather3A_322 = tpu.vector_load_idx %arg20[%add3A_305, %add3A_12] : memref<1000x3xf32, #tpu.memory_space<vmem>>[vector<16xi32>, vector<16xi32>], vector<16xf32>,
        %gather3A_323 = tpu.vector_load_idx %arg20[%add3A_305, %add3A_15] : memref<1000x3xf32, #tpu.memory_space<vmem>>[vector<16xi32>, vector<16xi32>], vector<16xf32>,
        %sub3A_324 = arith.subf %gather3A_318, %gather3A_321 : vector<16xf32>
        %sub3A_325 = arith.subf %gather3A_319, %gather3A_322 : vector<16xf32>
        %sub3A_326 = arith.subf %gather3A_320, %gather3A_323 : vector<16xf32>
        %mul3A_327 = arith.mulf %sub3A_324, %sub3A_324 : vector<16xf32>
        %mul3A_328 = arith.mulf %sub3A_325, %sub3A_325 : vector<16xf32>
        %add3A_329 = arith.addf %mul3A_327, %mul3A_328 : vector<16xf32>
        %mul3A_330 = arith.mulf %sub3A_326, %sub3A_326 : vector<16xf32>
        %add3A_331 = arith.addf %add3A_329, %mul3A_330 : vector<16xf32>
        %div3A = arith.divf %add3A_317, %add3A_331 : vector<16xf32>
        %sub3A_332 = arith.constant 1.000000e+00 : f32
        %sub3A_333 = vector.broadcast %sub3A_332 : f32 to vector<16xf32>
        %sub3A_334 = arith.subf %div3A, %sub3A_333 : vector<16xf32>
        %abs3A = math.absf %sub3A_334 : vector<16xf32>
        %add3A_335 = arith.addf %scan3A_301, %abs3A : vector<16xf32>
        scf.yield %add3A_335 : vector<16xf32>
      }
      %scan3A_219 = arith.constant 62 : i32
      %mul3A_220 = arith.constant 1000 : i32
      %mul3A_221 = arith.muli %min3A_190, %mul3A_220 : i32
      %add3A_222 = arith.addi %mul3A_8, %mul3A_221 : i32
      %dma_wait3A_223 = arith.constant 0 : i32
      %dma_wait3A_224 = tpu.memref_slice %arg4[%dma_wait3A_223, %add3A_222] : memref<2x6400000xi32, #tpu.memory_space<hbm>> -> memref<1x1000xi32, #tpu.memory_space<hbm>>
      %dma_wait3A_225 = tpu.memref_squeeze %dma_wait3A_224 : memref<1x1000xi32, #tpu.memory_space<hbm>> -> memref<1000xi32, #tpu.memory_space<hbm>>
      %dma_wait3A_226 = tpu.memref_slice %arg4[%dma_wait3A_223, %add3A_222] : memref<2x6400000xi32, #tpu.memory_space<hbm>> -> memref<1x1000xi32, #tpu.memory_space<hbm>>
      %dma_wait3A_227 = tpu.memref_squeeze %dma_wait3A_226 : memref<1x1000xi32, #tpu.memory_space<hbm>> -> memref<1000xi32, #tpu.memory_space<hbm>>
      tpu.wait_dma2 semaphore(%arg27 : memref<!tpu.dma_semaphore, #tpu.memory_space<semaphore_mem>>) src(%dma_wait3A_227 : memref<1000xi32, #tpu.memory_space<hbm>>) dst(%arg9 : memref<1000xi32, #tpu.memory_space<vmem>>)
      %dma_wait3A_228 = arith.constant 1 : i32
      %dma_wait3A_229 = tpu.memref_slice %arg4[%dma_wait3A_228, %add3A_222] : memref<2x6400000xi32, #tpu.memory_space<hbm>> -> memref<1x1000xi32, #tpu.memory_space<hbm>>
      %dma_wait3A_230 = tpu.memref_squeeze %dma_wait3A_229 : memref<1x1000xi32, #tpu.memory_space<hbm>> -> memref<1000xi32, #tpu.memory_space<hbm>>
      %dma_wait3A_231 = tpu.memref_slice %arg4[%dma_wait3A_228, %add3A_222] : memref<2x6400000xi32, #tpu.memory_space<hbm>> -> memref<1x1000xi32, #tpu.memory_space<hbm>>
      %dma_wait3A_232 = tpu.memref_squeeze %dma_wait3A_231 : memref<1x1000xi32, #tpu.memory_space<hbm>> -> memref<1000xi32, #tpu.memory_space<hbm>>
      tpu.wait_dma2 semaphore(%arg27 : memref<!tpu.dma_semaphore, #tpu.memory_space<semaphore_mem>>) src(%dma_wait3A_232 : memref<1000xi32, #tpu.memory_space<hbm>>) dst(%arg10 : memref<1000xi32, #tpu.memory_space<vmem>>)
      %dma_wait3A_233 = arith.constant 0 : i32
      %dma_wait3A_234 = tpu.memref_slice %arg5[%dma_wait3A_233, %add3A_222] : memref<2x6400000xi32, #tpu.memory_space<hbm>> -> memref<1x1000xi32, #tpu.memory_space<hbm>>
      %dma_wait3A_235 = tpu.memref_squeeze %dma_wait3A_234 : memref<1x1000xi32, #tpu.memory_space<hbm>> -> memref<1000xi32, #tpu.memory_space<hbm>>
      %dma_wait3A_236 = tpu.memref_slice %arg5[%dma_wait3A_233, %add3A_222] : memref<2x6400000xi32, #tpu.memory_space<hbm>> -> memref<1x1000xi32, #tpu.memory_space<hbm>>
      %dma_wait3A_237 = tpu.memref_squeeze %dma_wait3A_236 : memref<1x1000xi32, #tpu.memory_space<hbm>> -> memref<1000xi32, #tpu.memory_space<hbm>>
      tpu.wait_dma2 semaphore(%arg27 : memref<!tpu.dma_semaphore, #tpu.memory_space<semaphore_mem>>) src(%dma_wait3A_237 : memref<1000xi32, #tpu.memory_space<hbm>>) dst(%arg11 : memref<1000xi32, #tpu.memory_space<vmem>>)
      %dma_wait3A_238 = arith.constant 1 : i32
      %dma_wait3A_239 = tpu.memref_slice %arg5[%dma_wait3A_238, %add3A_222] : memref<2x6400000xi32, #tpu.memory_space<hbm>> -> memref<1x1000xi32, #tpu.memory_space<hbm>>
      %dma_wait3A_240 = tpu.memref_squeeze %dma_wait3A_239 : memref<1x1000xi32, #tpu.memory_space<hbm>> -> memref<1000xi32, #tpu.memory_space<hbm>>
      %dma_wait3A_241 = tpu.memref_slice %arg5[%dma_wait3A_238, %add3A_222] : memref<2x6400000xi32, #tpu.memory_space<hbm>> -> memref<1x1000xi32, #tpu.memory_space<hbm>>
      %dma_wait3A_242 = tpu.memref_squeeze %dma_wait3A_241 : memref<1x1000xi32, #tpu.memory_space<hbm>> -> memref<1000xi32, #tpu.memory_space<hbm>>
      tpu.wait_dma2 semaphore(%arg27 : memref<!tpu.dma_semaphore, #tpu.memory_space<semaphore_mem>>) src(%dma_wait3A_242 : memref<1000xi32, #tpu.memory_space<hbm>>) dst(%arg12 : memref<1000xi32, #tpu.memory_space<vmem>>)
      %dma_wait3A_243 = arith.constant 0 : i32
      %dma_wait3A_244 = arith.constant 0 : i32
      %dma_wait3A_245 = tpu.memref_slice %arg7[%dma_wait3A_243, %dma_wait3A_244] : memref<100000x3xf32, #tpu.memory_space<vmem_shared>> -> memref<100000x3xf32, #tpu.memory_space<vmem_shared>>
      tpu.wait_indirect_dma semaphore(%arg28 : memref<!tpu.dma_semaphore, #tpu.memory_space<semaphore_mem>>) src(%dma_wait3A_245 : memref<100000x3xf32, #tpu.memory_space<vmem_shared>>) dst(%arg21 : memref<1000x3xf32, #tpu.memory_space<vmem>>)
      %dma_wait3A_246 = arith.constant 0 : i32
      %dma_wait3A_247 = arith.constant 0 : i32
      %dma_wait3A_248 = tpu.memref_slice %arg7[%dma_wait3A_246, %dma_wait3A_247] : memref<100000x3xf32, #tpu.memory_space<vmem_shared>> -> memref<100000x3xf32, #tpu.memory_space<vmem_shared>>
      tpu.wait_indirect_dma semaphore(%arg28 : memref<!tpu.dma_semaphore, #tpu.memory_space<semaphore_mem>>) src(%dma_wait3A_248 : memref<100000x3xf32, #tpu.memory_space<vmem_shared>>) dst(%arg22 : memref<1000x3xf32, #tpu.memory_space<vmem>>)
      %dma_wait3A_249 = arith.constant 0 : i32
      %dma_wait3A_250 = arith.constant 0 : i32
      %dma_wait3A_251 = tpu.memref_slice %arg8[%dma_wait3A_249, %dma_wait3A_250] : memref<100000x3xf32, #tpu.memory_space<vmem_shared>> -> memref<100000x3xf32, #tpu.memory_space<vmem_shared>>
      tpu.wait_indirect_dma semaphore(%arg28 : memref<!tpu.dma_semaphore, #tpu.memory_space<semaphore_mem>>) src(%dma_wait3A_251 : memref<100000x3xf32, #tpu.memory_space<vmem_shared>>) dst(%arg23 : memref<1000x3xf32, #tpu.memory_space<vmem>>)
      %dma_wait3A_252 = arith.constant 0 : i32
      %dma_wait3A_253 = arith.constant 0 : i32
      %dma_wait3A_254 = tpu.memref_slice %arg8[%dma_wait3A_252, %dma_wait3A_253] : memref<100000x3xf32, #tpu.memory_space<vmem_shared>> -> memref<100000x3xf32, #tpu.memory_space<vmem_shared>>
      tpu.wait_indirect_dma semaphore(%arg28 : memref<!tpu.dma_semaphore, #tpu.memory_space<semaphore_mem>>) src(%dma_wait3A_254 : memref<100000x3xf32, #tpu.memory_space<vmem_shared>>) dst(%arg24 : memref<1000x3xf32, #tpu.memory_space<vmem>>)
      %dma_start3A_255 = arith.constant 0 : i32
      %dma_start3A_256 = arith.constant 0 : i32
      %dma_start3A_257 = tpu.memref_slice %arg7[%dma_start3A_255, %dma_start3A_256] : memref<100000x3xf32, #tpu.memory_space<vmem_shared>> -> memref<100000x3xf32, #tpu.memory_space<vmem_shared>>
      tpu.enqueue_indirect_dma source(%dma_start3A_257 : memref<100000x3xf32, #tpu.memory_space<vmem_shared>>) target(%arg17 : memref<1000x3xf32, #tpu.memory_space<vmem>>) offsets(%arg9 : memref<1000xi32, #tpu.memory_space<vmem>>) semaphore(%arg28 : memref<!tpu.dma_semaphore, #tpu.memory_space<semaphore_mem>>)
      %dma_start3A_258 = arith.constant 0 : i32
      %dma_start3A_259 = arith.constant 0 : i32
      %dma_start3A_260 = tpu.memref_slice %arg7[%dma_start3A_258, %dma_start3A_259] : memref<100000x3xf32, #tpu.memory_space<vmem_shared>> -> memref<100000x3xf32, #tpu.memory_space<vmem_shared>>
      tpu.enqueue_indirect_dma source(%dma_start3A_260 : memref<100000x3xf32, #tpu.memory_space<vmem_shared>>) target(%arg18 : memref<1000x3xf32, #tpu.memory_space<vmem>>) offsets(%arg10 : memref<1000xi32, #tpu.memory_space<vmem>>) semaphore(%arg28 : memref<!tpu.dma_semaphore, #tpu.memory_space<semaphore_mem>>)
      %dma_start3A_261 = arith.constant 0 : i32
      %dma_start3A_262 = arith.constant 0 : i32
      %dma_start3A_263 = tpu.memref_slice %arg8[%dma_start3A_261, %dma_start3A_262] : memref<100000x3xf32, #tpu.memory_space<vmem_shared>> -> memref<100000x3xf32, #tpu.memory_space<vmem_shared>>
      tpu.enqueue_indirect_dma source(%dma_start3A_263 : memref<100000x3xf32, #tpu.memory_space<vmem_shared>>) target(%arg19 : memref<1000x3xf32, #tpu.memory_space<vmem>>) offsets(%arg11 : memref<1000xi32, #tpu.memory_space<vmem>>) semaphore(%arg28 : memref<!tpu.dma_semaphore, #tpu.memory_space<semaphore_mem>>)
      %dma_start3A_264 = arith.constant 0 : i32
      %dma_start3A_265 = arith.constant 0 : i32
      %dma_start3A_266 = tpu.memref_slice %arg8[%dma_start3A_264, %dma_start3A_265] : memref<100000x3xf32, #tpu.memory_space<vmem_shared>> -> memref<100000x3xf32, #tpu.memory_space<vmem_shared>>
      tpu.enqueue_indirect_dma source(%dma_start3A_266 : memref<100000x3xf32, #tpu.memory_space<vmem_shared>>) target(%arg20 : memref<1000x3xf32, #tpu.memory_space<vmem>>) offsets(%arg12 : memref<1000xi32, #tpu.memory_space<vmem>>) semaphore(%arg28 : memref<!tpu.dma_semaphore, #tpu.memory_space<semaphore_mem>>)
      %scan3A_267 = arith.constant 0 : i32
      %scan3A_268 = arith.constant 62 : i32
      %scan3A_269 = arith.addi %scan3A_267, %scan3A_268 : i32
      %scan3A_270 = arith.constant 1 : i32
      %scan3A_271 = scf.for %scan3A_300 = %scan3A_267 to %scan3A_269 step %scan3A_270 iter_args(%scan3A_301 = %scan3A_218) -> (vector<16xf32>)  : i32 {
        %mul3A_302 = arith.constant 16 : i32
        %mul3A_303 = arith.muli %scan3A_300, %mul3A_302 : i32
        %add3A_304 = vector.broadcast %mul3A_303 : i32 to vector<16xi32>
        %add3A_305 = arith.addi %add3A_304, %iota3A : vector<16xi32>
        %gather3A = tpu.vector_load_idx %arg21[%add3A_305, %broadcast_in_dim3A_9] : memref<1000x3xf32, #tpu.memory_space<vmem>>[vector<16xi32>, vector<16xi32>], vector<16xf32>,
        %gather3A_306 = tpu.vector_load_idx %arg21[%add3A_305, %add3A_12] : memref<1000x3xf32, #tpu.memory_space<vmem>>[vector<16xi32>, vector<16xi32>], vector<16xf32>,
        %gather3A_307 = tpu.vector_load_idx %arg21[%add3A_305, %add3A_15] : memref<1000x3xf32, #tpu.memory_space<vmem>>[vector<16xi32>, vector<16xi32>], vector<16xf32>,
        %gather3A_308 = tpu.vector_load_idx %arg22[%add3A_305, %broadcast_in_dim3A_9] : memref<1000x3xf32, #tpu.memory_space<vmem>>[vector<16xi32>, vector<16xi32>], vector<16xf32>,
        %gather3A_309 = tpu.vector_load_idx %arg22[%add3A_305, %add3A_12] : memref<1000x3xf32, #tpu.memory_space<vmem>>[vector<16xi32>, vector<16xi32>], vector<16xf32>,
        %gather3A_310 = tpu.vector_load_idx %arg22[%add3A_305, %add3A_15] : memref<1000x3xf32, #tpu.memory_space<vmem>>[vector<16xi32>, vector<16xi32>], vector<16xf32>,
        %sub3A = arith.subf %gather3A, %gather3A_308 : vector<16xf32>
        %sub3A_311 = arith.subf %gather3A_306, %gather3A_309 : vector<16xf32>
        %sub3A_312 = arith.subf %gather3A_307, %gather3A_310 : vector<16xf32>
        %mul3A_313 = arith.mulf %sub3A, %sub3A : vector<16xf32>
        %mul3A_314 = arith.mulf %sub3A_311, %sub3A_311 : vector<16xf32>
        %add3A_315 = arith.addf %mul3A_313, %mul3A_314 : vector<16xf32>
        %mul3A_316 = arith.mulf %sub3A_312, %sub3A_312 : vector<16xf32>
        %add3A_317 = arith.addf %add3A_315, %mul3A_316 : vector<16xf32>
        %gather3A_318 = tpu.vector_load_idx %arg23[%add3A_305, %broadcast_in_dim3A_9] : memref<1000x3xf32, #tpu.memory_space<vmem>>[vector<16xi32>, vector<16xi32>], vector<16xf32>,
        %gather3A_319 = tpu.vector_load_idx %arg23[%add3A_305, %add3A_12] : memref<1000x3xf32, #tpu.memory_space<vmem>>[vector<16xi32>, vector<16xi32>], vector<16xf32>,
        %gather3A_320 = tpu.vector_load_idx %arg23[%add3A_305, %add3A_15] : memref<1000x3xf32, #tpu.memory_space<vmem>>[vector<16xi32>, vector<16xi32>], vector<16xf32>,
        %gather3A_321 = tpu.vector_load_idx %arg24[%add3A_305, %broadcast_in_dim3A_9] : memref<1000x3xf32, #tpu.memory_space<vmem>>[vector<16xi32>, vector<16xi32>], vector<16xf32>,
        %gather3A_322 = tpu.vector_load_idx %arg24[%add3A_305, %add3A_12] : memref<1000x3xf32, #tpu.memory_space<vmem>>[vector<16xi32>, vector<16xi32>], vector<16xf32>,
        %gather3A_323 = tpu.vector_load_idx %arg24[%add3A_305, %add3A_15] : memref<1000x3xf32, #tpu.memory_space<vmem>>[vector<16xi32>, vector<16xi32>], vector<16xf32>,
        %sub3A_324 = arith.subf %gather3A_318, %gather3A_321 : vector<16xf32>
        %sub3A_325 = arith.subf %gather3A_319, %gather3A_322 : vector<16xf32>
        %sub3A_326 = arith.subf %gather3A_320, %gather3A_323 : vector<16xf32>
        %mul3A_327 = arith.mulf %sub3A_324, %sub3A_324 : vector<16xf32>
        %mul3A_328 = arith.mulf %sub3A_325, %sub3A_325 : vector<16xf32>
        %add3A_329 = arith.addf %mul3A_327, %mul3A_328 : vector<16xf32>
        %mul3A_330 = arith.mulf %sub3A_326, %sub3A_326 : vector<16xf32>
        %add3A_331 = arith.addf %add3A_329, %mul3A_330 : vector<16xf32>
        %div3A = arith.divf %add3A_317, %add3A_331 : vector<16xf32>
        %sub3A_332 = arith.constant 1.000000e+00 : f32
        %sub3A_333 = vector.broadcast %sub3A_332 : f32 to vector<16xf32>
        %sub3A_334 = arith.subf %div3A, %sub3A_333 : vector<16xf32>
        %abs3A = math.absf %sub3A_334 : vector<16xf32>
        %add3A_335 = arith.addf %scan3A_301, %abs3A : vector<16xf32>
        scf.yield %add3A_335 : vector<16xf32>
      }
      %scan3A_272 = arith.constant 62 : i32
      %add3A_273 = arith.constant 3 : i32
      %add3A_274 = arith.addi %mul3A_138, %add3A_273 : i32
      %min3A_275 = arith.constant 199 : i32
      %min3A_276 = arith.minsi %add3A_274, %min3A_275 : i32
      %mul3A_277 = arith.constant 1000 : i32
      %mul3A_278 = arith.muli %min3A_276, %mul3A_277 : i32
      %add3A_279 = arith.addi %mul3A_8, %mul3A_278 : i32
      %dma_start3A_280 = arith.constant 0 : i32
      %dma_start3A_281 = tpu.memref_slice %arg4[%dma_start3A_280, %add3A_279] : memref<2x6400000xi32, #tpu.memory_space<hbm>> -> memref<1x1000xi32, #tpu.memory_space<hbm>>
      %dma_start3A_282 = tpu.memref_squeeze %dma_start3A_281 : memref<1x1000xi32, #tpu.memory_space<hbm>> -> memref<1000xi32, #tpu.memory_space<hbm>>
      %dma_start3A_283 = tpu.memref_slice %arg4[%dma_start3A_280, %add3A_279] : memref<2x6400000xi32, #tpu.memory_space<hbm>> -> memref<1x1000xi32, #tpu.memory_space<hbm>>
      %dma_start3A_284 = tpu.memref_squeeze %dma_start3A_283 : memref<1x1000xi32, #tpu.memory_space<hbm>> -> memref<1000xi32, #tpu.memory_space<hbm>>
      tpu.enqueue_dma source(%dma_start3A_284 : memref<1000xi32, #tpu.memory_space<hbm>>) target(%arg13 : memref<1000xi32, #tpu.memory_space<vmem>>) target_semaphore(%arg27 : memref<!tpu.dma_semaphore, #tpu.memory_space<semaphore_mem>>)
      %dma_start3A_285 = arith.constant 1 : i32
      %dma_start3A_286 = tpu.memref_slice %arg4[%dma_start3A_285, %add3A_279] : memref<2x6400000xi32, #tpu.memory_space<hbm>> -> memref<1x1000xi32, #tpu.memory_space<hbm>>
      %dma_start3A_287 = tpu.memref_squeeze %dma_start3A_286 : memref<1x1000xi32, #tpu.memory_space<hbm>> -> memref<1000xi32, #tpu.memory_space<hbm>>
      %dma_start3A_288 = tpu.memref_slice %arg4[%dma_start3A_285, %add3A_279] : memref<2x6400000xi32, #tpu.memory_space<hbm>> -> memref<1x1000xi32, #tpu.memory_space<hbm>>
      %dma_start3A_289 = tpu.memref_squeeze %dma_start3A_288 : memref<1x1000xi32, #tpu.memory_space<hbm>> -> memref<1000xi32, #tpu.memory_space<hbm>>
      tpu.enqueue_dma source(%dma_start3A_289 : memref<1000xi32, #tpu.memory_space<hbm>>) target(%arg14 : memref<1000xi32, #tpu.memory_space<vmem>>) target_semaphore(%arg27 : memref<!tpu.dma_semaphore, #tpu.memory_space<semaphore_mem>>)
      %dma_start3A_290 = arith.constant 0 : i32
      %dma_start3A_291 = tpu.memref_slice %arg5[%dma_start3A_290, %add3A_279] : memref<2x6400000xi32, #tpu.memory_space<hbm>> -> memref<1x1000xi32, #tpu.memory_space<hbm>>
      %dma_start3A_292 = tpu.memref_squeeze %dma_start3A_291 : memref<1x1000xi32, #tpu.memory_space<hbm>> -> memref<1000xi32, #tpu.memory_space<hbm>>
      %dma_start3A_293 = tpu.memref_slice %arg5[%dma_start3A_290, %add3A_279] : memref<2x6400000xi32, #tpu.memory_space<hbm>> -> memref<1x1000xi32, #tpu.memory_space<hbm>>
      %dma_start3A_294 = tpu.memref_squeeze %dma_start3A_293 : memref<1x1000xi32, #tpu.memory_space<hbm>> -> memref<1000xi32, #tpu.memory_space<hbm>>
      tpu.enqueue_dma source(%dma_start3A_294 : memref<1000xi32, #tpu.memory_space<hbm>>) target(%arg15 : memref<1000xi32, #tpu.memory_space<vmem>>) target_semaphore(%arg27 : memref<!tpu.dma_semaphore, #tpu.memory_space<semaphore_mem>>)
      %dma_start3A_295 = arith.constant 1 : i32
      %dma_start3A_296 = tpu.memref_slice %arg5[%dma_start3A_295, %add3A_279] : memref<2x6400000xi32, #tpu.memory_space<hbm>> -> memref<1x1000xi32, #tpu.memory_space<hbm>>
      %dma_start3A_297 = tpu.memref_squeeze %dma_start3A_296 : memref<1x1000xi32, #tpu.memory_space<hbm>> -> memref<1000xi32, #tpu.memory_space<hbm>>
      %dma_start3A_298 = tpu.memref_slice %arg5[%dma_start3A_295, %add3A_279] : memref<2x6400000xi32, #tpu.memory_space<hbm>> -> memref<1x1000xi32, #tpu.memory_space<hbm>>
      %dma_start3A_299 = tpu.memref_squeeze %dma_start3A_298 : memref<1x1000xi32, #tpu.memory_space<hbm>> -> memref<1000xi32, #tpu.memory_space<hbm>>
      tpu.enqueue_dma source(%dma_start3A_299 : memref<1000xi32, #tpu.memory_space<hbm>>) target(%arg16 : memref<1000xi32, #tpu.memory_space<vmem>>) target_semaphore(%arg27 : memref<!tpu.dma_semaphore, #tpu.memory_space<semaphore_mem>>)
      scf.yield %scan3A_271 : vector<16xf32>
    }
    %scan3A_99 = arith.constant 100 : i32
    %dma_wait3A_100 = arith.constant 0 : i32
    %dma_wait3A_101 = arith.constant 0 : i32
    %dma_wait3A_102 = tpu.memref_slice %arg7[%dma_wait3A_100, %dma_wait3A_101] : memref<100000x3xf32, #tpu.memory_space<vmem_shared>> -> memref<100000x3xf32, #tpu.memory_space<vmem_shared>>
    tpu.wait_indirect_dma semaphore(%arg28 : memref<!tpu.dma_semaphore, #tpu.memory_space<semaphore_mem>>) src(%dma_wait3A_102 : memref<100000x3xf32, #tpu.memory_space<vmem_shared>>) dst(%arg17 : memref<1000x3xf32, #tpu.memory_space<vmem>>)
    %dma_wait3A_103 = arith.constant 0 : i32
    %dma_wait3A_104 = arith.constant 0 : i32
    %dma_wait3A_105 = tpu.memref_slice %arg7[%dma_wait3A_103, %dma_wait3A_104] : memref<100000x3xf32, #tpu.memory_space<vmem_shared>> -> memref<100000x3xf32, #tpu.memory_space<vmem_shared>>
    tpu.wait_indirect_dma semaphore(%arg28 : memref<!tpu.dma_semaphore, #tpu.memory_space<semaphore_mem>>) src(%dma_wait3A_105 : memref<100000x3xf32, #tpu.memory_space<vmem_shared>>) dst(%arg18 : memref<1000x3xf32, #tpu.memory_space<vmem>>)
    %dma_wait3A_106 = arith.constant 0 : i32
    %dma_wait3A_107 = arith.constant 0 : i32
    %dma_wait3A_108 = tpu.memref_slice %arg8[%dma_wait3A_106, %dma_wait3A_107] : memref<100000x3xf32, #tpu.memory_space<vmem_shared>> -> memref<100000x3xf32, #tpu.memory_space<vmem_shared>>
    tpu.wait_indirect_dma semaphore(%arg28 : memref<!tpu.dma_semaphore, #tpu.memory_space<semaphore_mem>>) src(%dma_wait3A_108 : memref<100000x3xf32, #tpu.memory_space<vmem_shared>>) dst(%arg19 : memref<1000x3xf32, #tpu.memory_space<vmem>>)
    %dma_wait3A_109 = arith.constant 0 : i32
    %dma_wait3A_110 = arith.constant 0 : i32
    %dma_wait3A_111 = tpu.memref_slice %arg8[%dma_wait3A_109, %dma_wait3A_110] : memref<100000x3xf32, #tpu.memory_space<vmem_shared>> -> memref<100000x3xf32, #tpu.memory_space<vmem_shared>>
    tpu.wait_indirect_dma semaphore(%arg28 : memref<!tpu.dma_semaphore, #tpu.memory_space<semaphore_mem>>) src(%dma_wait3A_111 : memref<100000x3xf32, #tpu.memory_space<vmem_shared>>) dst(%arg20 : memref<1000x3xf32, #tpu.memory_space<vmem>>)
    %add3A_112 = arith.constant 199000 : i32
    %add3A_113 = arith.addi %mul3A_8, %add3A_112 : i32
    %dma_wait3A_114 = arith.constant 0 : i32
    %dma_wait3A_115 = tpu.memref_slice %arg4[%dma_wait3A_114, %add3A_113] : memref<2x6400000xi32, #tpu.memory_space<hbm>> -> memref<1x1000xi32, #tpu.memory_space<hbm>>
    %dma_wait3A_116 = tpu.memref_squeeze %dma_wait3A_115 : memref<1x1000xi32, #tpu.memory_space<hbm>> -> memref<1000xi32, #tpu.memory_space<hbm>>
    %dma_wait3A_117 = tpu.memref_slice %arg4[%dma_wait3A_114, %add3A_113] : memref<2x6400000xi32, #tpu.memory_space<hbm>> -> memref<1x1000xi32, #tpu.memory_space<hbm>>
    %dma_wait3A_118 = tpu.memref_squeeze %dma_wait3A_117 : memref<1x1000xi32, #tpu.memory_space<hbm>> -> memref<1000xi32, #tpu.memory_space<hbm>>
    tpu.wait_dma2 semaphore(%arg27 : memref<!tpu.dma_semaphore, #tpu.memory_space<semaphore_mem>>) src(%dma_wait3A_118 : memref<1000xi32, #tpu.memory_space<hbm>>) dst(%arg13 : memref<1000xi32, #tpu.memory_space<vmem>>)
    %dma_wait3A_119 = arith.constant 1 : i32
    %dma_wait3A_120 = tpu.memref_slice %arg4[%dma_wait3A_119, %add3A_113] : memref<2x6400000xi32, #tpu.memory_space<hbm>> -> memref<1x1000xi32, #tpu.memory_space<hbm>>
    %dma_wait3A_121 = tpu.memref_squeeze %dma_wait3A_120 : memref<1x1000xi32, #tpu.memory_space<hbm>> -> memref<1000xi32, #tpu.memory_space<hbm>>
    %dma_wait3A_122 = tpu.memref_slice %arg4[%dma_wait3A_119, %add3A_113] : memref<2x6400000xi32, #tpu.memory_space<hbm>> -> memref<1x1000xi32, #tpu.memory_space<hbm>>
    %dma_wait3A_123 = tpu.memref_squeeze %dma_wait3A_122 : memref<1x1000xi32, #tpu.memory_space<hbm>> -> memref<1000xi32, #tpu.memory_space<hbm>>
    tpu.wait_dma2 semaphore(%arg27 : memref<!tpu.dma_semaphore, #tpu.memory_space<semaphore_mem>>) src(%dma_wait3A_123 : memref<1000xi32, #tpu.memory_space<hbm>>) dst(%arg14 : memref<1000xi32, #tpu.memory_space<vmem>>)
    %dma_wait3A_124 = arith.constant 0 : i32
    %dma_wait3A_125 = tpu.memref_slice %arg5[%dma_wait3A_124, %add3A_113] : memref<2x6400000xi32, #tpu.memory_space<hbm>> -> memref<1x1000xi32, #tpu.memory_space<hbm>>
    %dma_wait3A_126 = tpu.memref_squeeze %dma_wait3A_125 : memref<1x1000xi32, #tpu.memory_space<hbm>> -> memref<1000xi32, #tpu.memory_space<hbm>>
    %dma_wait3A_127 = tpu.memref_slice %arg5[%dma_wait3A_124, %add3A_113] : memref<2x6400000xi32, #tpu.memory_space<hbm>> -> memref<1x1000xi32, #tpu.memory_space<hbm>>
    %dma_wait3A_128 = tpu.memref_squeeze %dma_wait3A_127 : memref<1x1000xi32, #tpu.memory_space<hbm>> -> memref<1000xi32, #tpu.memory_space<hbm>>
    tpu.wait_dma2 semaphore(%arg27 : memref<!tpu.dma_semaphore, #tpu.memory_space<semaphore_mem>>) src(%dma_wait3A_128 : memref<1000xi32, #tpu.memory_space<hbm>>) dst(%arg15 : memref<1000xi32, #tpu.memory_space<vmem>>)
    %dma_wait3A_129 = arith.constant 1 : i32
    %dma_wait3A_130 = tpu.memref_slice %arg5[%dma_wait3A_129, %add3A_113] : memref<2x6400000xi32, #tpu.memory_space<hbm>> -> memref<1x1000xi32, #tpu.memory_space<hbm>>
    %dma_wait3A_131 = tpu.memref_squeeze %dma_wait3A_130 : memref<1x1000xi32, #tpu.memory_space<hbm>> -> memref<1000xi32, #tpu.memory_space<hbm>>
    %dma_wait3A_132 = tpu.memref_slice %arg5[%dma_wait3A_129, %add3A_113] : memref<2x6400000xi32, #tpu.memory_space<hbm>> -> memref<1x1000xi32, #tpu.memory_space<hbm>>
    %dma_wait3A_133 = tpu.memref_squeeze %dma_wait3A_132 : memref<1x1000xi32, #tpu.memory_space<hbm>> -> memref<1000xi32, #tpu.memory_space<hbm>>
    tpu.wait_dma2 semaphore(%arg27 : memref<!tpu.dma_semaphore, #tpu.memory_space<semaphore_mem>>) src(%dma_wait3A_133 : memref<1000xi32, #tpu.memory_space<hbm>>) dst(%arg16 : memref<1000xi32, #tpu.memory_space<vmem>>)
    %swap3A = arith.constant 0 : index
    %swap3A_134 = tpu.vector_load %arg26[%swap3A] {strides = array<i32>} : memref<16xf32, #tpu.memory_space<vmem>>, vector<16xf32>,
    tpu.vector_store %arg26[%swap3A], %scan3A_98 {strides = array<i32>} : memref<16xf32, #tpu.memory_space<vmem>>, vector<16xf32>,
    "tpu.region"() ({
      %run_scoped3A = tpu.sem_alloc : memref<!tpu.dma_semaphore, #tpu.memory_space<semaphore_mem>>
      %dma_start3A_135 = arith.constant 0 : i32
      %dma_start3A_136 = tpu.memref_slice %arg6[%add3A, %dma_start3A_135] : memref<32x16xf32, #tpu.memory_space<hbm>> -> memref<1x16xf32, #tpu.memory_space<hbm>>
      %dma_start3A_137 = tpu.memref_squeeze %dma_start3A_136 : memref<1x16xf32, #tpu.memory_space<hbm>> -> memref<16xf32, #tpu.memory_space<hbm>>
      %dma_start3A_138 = arith.constant 0 : i32
      %dma_start3A_139 = tpu.memref_slice %arg6[%add3A, %dma_start3A_138] : memref<32x16xf32, #tpu.memory_space<hbm>> -> memref<1x16xf32, #tpu.memory_space<hbm>>
      %dma_start3A_140 = tpu.memref_squeeze %dma_start3A_139 : memref<1x16xf32, #tpu.memory_space<hbm>> -> memref<16xf32, #tpu.memory_space<hbm>>
      tpu.enqueue_dma source(%arg26 : memref<16xf32, #tpu.memory_space<vmem>>) target(%dma_start3A_140 : memref<16xf32, #tpu.memory_space<hbm>>) target_semaphore(%run_scoped3A : memref<!tpu.dma_semaphore, #tpu.memory_space<semaphore_mem>>)
      %dma_wait3A_141 = arith.constant 0 : i32
      %dma_wait3A_142 = tpu.memref_slice %arg6[%add3A, %dma_wait3A_141] : memref<32x16xf32, #tpu.memory_space<hbm>> -> memref<1x16xf32, #tpu.memory_space<hbm>>
      %dma_wait3A_143 = tpu.memref_squeeze %dma_wait3A_142 : memref<1x16xf32, #tpu.memory_space<hbm>> -> memref<16xf32, #tpu.memory_space<hbm>>
      %dma_wait3A_144 = arith.constant 0 : i32
      %dma_wait3A_145 = tpu.memref_slice %arg6[%add3A, %dma_wait3A_144] : memref<32x16xf32, #tpu.memory_space<hbm>> -> memref<1x16xf32, #tpu.memory_space<hbm>>
      %dma_wait3A_146 = tpu.memref_squeeze %dma_wait3A_145 : memref<1x16xf32, #tpu.memory_space<hbm>> -> memref<16xf32, #tpu.memory_space<hbm>>
      tpu.wait_dma2 semaphore(%run_scoped3A : memref<!tpu.dma_semaphore, #tpu.memory_space<semaphore_mem>>) src(%arg26 : memref<16xf32, #tpu.memory_space<vmem>>) dst(%dma_wait3A_146 : memref<16xf32, #tpu.memory_space<hbm>>)
      tpu.yield
    }) : () -> ()
    return
  }
}

</mosaic_0001>

<sc_bundles>
// kernel: kernel.3.cloned.1.call-start
scs
__scs_entry_jumppad:
0x0: {  	(pc) =	sbr.rel $0x88, $3  }
0x1: {  	(tag) =	ssettag $0x0;
	lr =	simm.s32 $0x1  }
0x2: {  	[smem:$0x3F9D] =	sst lr;
	_ =	strace $0xD0000000  }
0x3: {  	_ = 	snop  }
0x4: {  	_ = 	snop  }
0x5: {  	_ = 	snop  }
0x6: {  	_ = 	snop  }
0x7: {  	_ = 	snop  }
__scs_overlays_trampoline_lowered:
0x8: {  	[smem:$0x3FAC] =	sst s0  }
0x9: {  	[smem:$0x3FAD] =	sst s1  }
0xa: {  	[smem:$0x3FAE] =	sst s2  }
0xb: {  	[smem:$0x3FAF] =	sst s3  }
0xc: {  	[smem:$0x3FB0] =	sst s4  }
0xd: {  	[smem:$0x3FB1] =	sst s5  }
0xe: {  	[smem:$0x3FB2] =	sst s6  }
0xf: {  	[smem:$0x3FB3] =	sst s7  }
0x10: {  	[smem:$0x3FB4] =	sst s8  }
0x11: {  	[smem:$0x3FB5] =	sst s9;
	s0 =	simm.s32 @!p0 $0x0  }
0x12: {  	s1 =	sld [smem:$0x3F9B];
	s0 =	simm.s32 @p0 $0x1  }
0x13: {  	[smem:$0x3FB6] =	sst s0;
	s0 =	simm.s32 @!p1 $0x0  }
0x14: {  	s2 =	sld [smem:$0x3F9A];
	s0 =	simm.s32 @p1 $0x1  }
0x15: {  	[smem:$0x3FB7] =	sst s0;
	s0 =	simm.s32 @!p2 $0x0  }
0x16: {  	s3 =	sld [smem:$0x3FDB];
	s0 =	simm.s32 @p2 $0x1  }
0x17: {  	s4 =	simm.s32 $0x1BF5;
	[smem:$0x3FB9] =	sst s0  }
0x18: {  	s0 =	sld [smem:$0x3F9C];
	_ =	swait.ge [sflag:s4], $0x0  }
0x19: {  	s7 =	sld [smem:$0x3F9D]  }
0x1a: {  	s8 =	sadd.s32 $0xFFFFE003, lr  }
0x1b: {  	s9 =	sadd.s32 $0xFFFFFEF7, lr;
	s5 =	simm.s32 $0xFFFFFFFF;
	p2 =	slt.u32 s8, $0xFFFFF086  }
0x1c: {  	p1 =	slt.u32 s9, $0xF7A;
	s5 =	simm.s32 @!p2 $0x0  }
0x1d: {  	s5 =	simm.s32 @p1 $0x1;
	p0 =	seq.s32 s7, s2  }
0x1e: {  	s7 =	smul.u32 @!p0 $0xF7A, s2;
	p2 =	seq.s32 @!p0 s5, $0x0  }
0x1f: {  	s9 =	smul.u32 $0xF7A, s1;
	s8 =	simm.s32 @!p0 $0x1BF5;
	p2 =	por !p2, p0  }
0x20: {  	[sflag:s8] =	ssyncset.s32 @!p0 $0xFFFFF086;
	s6 =	sadd.s32 @!p0 s3, s7;
	s7 =	simm.s32 @!p0 $0x108  }
0x21: {  	s3 =	sadd.s32 s3, s9;
	s6 =	sadd.s32 @!p0 $0x88, s6;
	s7 =	simm.s32 @p2 $0x1082  }
0x22: {  	[simem:s7], [sflag:s8] =	dma.local @!p0 [hbm:s6], $0xF7A  }
0x23: {  	s9 =	sor.u32 $0xD0000000, s2;
	s6 =	simm.s32 $0x108;
	_ =	swait.ge @!p0 [sflag:s8], $0x0  }
0x24: {  	s3 =	sadd.s32 $0x88, s3;
	s6 =	simm.s32 @!p1 $0x1082;
	[sflag:s4] =	ssyncset.s32 $0xFFFFF086  }
0x25: {  	[simem:s6], [sflag:s4] =	dma.local [hbm:s3], $0xF7A  }
0x26: {  	[smem:$0x3F9D] =	sst s1;
	(tag) =	ssettag s2;
	_ =	strace s9  }
0x27: {  	s1 =	sld [smem:$0x3FAD]  }
0x28: {  	s2 =	sld [smem:$0x3FAE]  }
0x29: {  	s4 =	sld [smem:$0x3FB0]  }
0x2a: {  	p0 =	seq.s32 s5, $0x0;
	s5 =	sld [smem:$0x3FB1]  }
0x2b: {  	s6 =	sld [smem:$0x3FB2]  }
0x2c: {  	s7 =	sld [smem:$0x3FB3]  }
0x2d: {  	s3 =	simm.s32 $0x108;
	s8 =	sld [smem:$0x3FB4]  }
0x2e: {  	s3 =	simm.s32 @!p0 $0x1082;
	s9 =	sld [smem:$0x3FB5]  }
0x2f: {  	lr =	sadd.s32 s0, s3;
	s0 =	sld [smem:$0x3FAC]  }
0x30: {  	s3 =	sld [smem:$0x3FAF]  }
0x31: {  	[smem:$0x3FB8] =	sst s10  }
0x32: {  	s10 =	sld [smem:$0x3FB6];
	_ =	sdelay $0x3  }
0x33: {  	p0 =	seq.s32 s10, $0x1;
	s10 =	sld [smem:$0x3FB8];
	_ =	sdelay $0x3  }
0x34: {  	[smem:$0x3FB8] =	sst s10  }
0x35: {  	s10 =	sld [smem:$0x3FB7];
	_ =	sdelay $0x3  }
0x36: {  	p1 =	seq.s32 s10, $0x1;
	s10 =	sld [smem:$0x3FB8];
	_ =	sdelay $0x3  }
0x37: {  	[smem:$0x3FB8] =	sst s10  }
0x38: {  	s10 =	sld [smem:$0x3FB9]  }
0x39: {  	_ = 	snop;
	(pc) =	sbr.ind lr, $3  }
0x3a: {  	_ = 	snop  }
0x3b: {  	_ = 	snop  }
0x3c: {  	p2 =	seq.s32 s10, $0x1;
	s10 =	sld [smem:$0x3FB8]  }
0x3d: {  	_ =	shalt  }
0x3e: {  	_ =	shalt  }
0x3f: {  	_ =	shalt  }
0x40: {  	_ =	shalt  }
0x41: {  	_ =	shalt  }
0x42: {  	_ =	shalt  }
0x43: {  	_ =	shalt  }
0x44: {  	_ =	shalt  }
0x45: {  	_ =	shalt  }
0x46: {  	_ =	shalt  }
0x47: {  	_ =	shalt  }
0x48: {  	_ =	shalt  }
0x49: {  	_ =	shalt  }
0x4a: {  	_ =	shalt  }
0x4b: {  	_ =	shalt  }
0x4c: {  	_ =	shalt  }
0x4d: {  	_ =	shalt  }
0x4e: {  	_ =	shalt  }
0x4f: {  	_ =	shalt  }
0x50: {  	_ =	shalt  }
0x51: {  	_ =	shalt  }
0x52: {  	_ =	shalt  }
0x53: {  	_ =	shalt  }
0x54: {  	_ =	shalt  }
0x55: {  	_ =	shalt  }
0x56: {  	_ =	shalt  }
0x57: {  	_ =	shalt  }
0x58: {  	_ =	shalt  }
0x59: {  	_ =	shalt  }
0x5a: {  	_ =	shalt  }
0x5b: {  	_ =	shalt  }
0x5c: {  	_ =	shalt  }
0x5d: {  	_ =	shalt  }
0x5e: {  	_ =	shalt  }
0x5f: {  	_ =	shalt  }
0x60: {  	_ =	shalt  }
0x61: {  	_ =	shalt  }
0x62: {  	_ =	shalt  }
0x63: {  	_ =	shalt  }
0x64: {  	_ =	shalt  }
0x65: {  	_ =	shalt  }
0x66: {  	_ =	shalt  }
0x67: {  	_ =	shalt  }
0x68: {  	_ =	shalt  }
0x69: {  	_ =	shalt  }
0x6a: {  	_ =	shalt  }
0x6b: {  	_ =	shalt  }
0x6c: {  	_ =	shalt  }
0x6d: {  	_ =	shalt  }
0x6e: {  	_ =	shalt  }
0x6f: {  	_ =	shalt  }
0x70: {  	_ =	shalt  }
0x71: {  	_ =	shalt  }
0x72: {  	_ =	shalt  }
0x73: {  	_ =	shalt  }
0x74: {  	_ =	shalt  }
0x75: {  	_ =	shalt  }
0x76: {  	_ =	shalt  }
0x77: {  	_ =	shalt  }
0x78: {  	_ =	shalt  }
0x79: {  	_ =	shalt  }
0x7a: {  	_ =	shalt  }
0x7b: {  	_ =	shalt  }
0x7c: {  	_ =	shalt  }
0x7d: {  	_ =	shalt  }
0x7e: {  	_ =	shalt  }
0x7f: {  	_ =	shalt  }
0x80: {  	_ =	shalt  }
0x81: {  	_ =	shalt  }
0x82: {  	_ =	shalt  }
0x83: {  	_ =	shalt  }
0x84: {  	_ =	shalt  }
0x85: {  	_ =	shalt  }
0x86: {  	_ =	shalt  }
0x87: {  	_ =	shalt  }
.Lfunc_end0:
.L_simem_size_0:
called_computation.2_lowered:
.L_overlay_start_0:
0x88: {  	s2 =	sld [smem:$0x3FD9]  }
0x89: {  	s3 =	sld [smem:$0x3FFE];
	_ =	sdelay $0x1  }
0x8a: {  	s1 =	srdreg.scid  }
0x8b: {  	s0 =	sand.u32 $0x1, s1  }
0x8c: {  	s16 =	sshll.u32 s0, $0xA;
	s2 =	sadd.s32 s3, s2  }
0x8d: {  	s2 =	sadd.s32 s2, s16  }
0x8e: {  	[smem:$0x3FC4] =	sst s2  }
0x8f: {  	_ = 	snop  }
0x90: {  	(tm) =	ssettm $0x1  }
0x91: {  	s17 =	sld [smem:$0x3FFB];
	_ =	sdelay $0x3  }
0x92: {  	_ =	strace s17  }
0x93: {  	s2 =	sld [smem:$0x3FFC];
	_ =	sdelay $0x3  }
0x94: {  	_ =	strace s2  }
0x95: {  	s2 =	sld [smem:$0x3FFD];
	_ =	sdelay $0x3  }
0x96: {  	_ =	strace s2  }
0x97: {  	_ =	strace $0x8FFFFFFF  }
0x98: {  	s18 =	sld [smem:$0x3FDB];
	_ =	sdelay $0x1  }
0x99: {  	s19 =	simm.s32 $_scs_section_size  }
0x9a: {  	s4 =	simm.s32 $_size__tile_overlayer_lowered;
	s5 =	simm.s32 $_tile_overlayer_lowered  }
0x9b: {  	s22 =	simm.s32 $0x1BFF;
	s21 =	sshll.u32 s5, $0x1;
	s2 =	sadd.s32 s19, s18  }
0x9c: {  	s6 =	simm.s32 $0x0;
	s20 =	sshll.u32 s4, $0x1;
	s4 =	sadd.s32 s21, s2  }
0x9d: {  	[timem:s6], [sflag:s22] =	dma.local [hbm:s4], s20  }
0x9e: {  	_ =	swait.ge [sflag:s22], s20  }
0x9f: {  	s3 =	ssub.s32 $0x0, s20;
	[sflag:s22] =	ssyncset.done $0x0  }
0xa0: {  	[sflag:s22] =	ssyncadd.s32 s3;
	_ =	sdelay $0x1  }
0xa1: {  	s23 =	simm.s32 $0x1B8B  }
0xa2: {  	_ =	swait.ge [sflag:s23], $0x1  }
0xa3: {  	[sflag:s23] =	ssyncset.done $0x0  }
0xa4: {  	s25 =	simm.s32 $0x1B8E;
	s24 =	sld [smem:$0x3FFE];
	[sflag:s23] =	ssyncadd.s32 $0xFFFFFFFF  }
0xa5: {  	s26 =	simm.s32 $execute0_lowered;
	[smem:$0x3FD2] =	sst s25  }
0xa6: {  	s4 =	sshll.u32 s26, $0x1;
	_ =	strace $0x8000004C;
	[dreg:$0x1] =	wrdreg $0xFFFFFFFF  }
0xa7: {  	s28 =	simm.s32 $_size_execute0_lowered;
	s2 =	sadd.s32 s2, s4;
	[dreg:$0x0] =	wrdreg $0x0  }
0xa8: {  	s4 =	sshll.u32 s28, $0x1;
	[dreg:$0x2] =	wrdreg s2  }
0xa9: {  	[dreg:$0x3] =	wrdreg s4  }
0xaa: {  	[dreg:$0x4] =	wrdreg $0xC0  }
0xab: {  	_ =	task [dreg:s6], $0x5FFFF  }
0xac: {  	[dreg:$0x1] =	wrdreg $0xFFFFFFFF  }
0xad: {  	[dreg:$0x0] =	wrdreg $0x60  }
0xae: {  	[dreg:$0x2] =	wrdreg s24  }
0xaf: {  	[dreg:$0x3] =	wrdreg $0x0  }
0xb0: {  	[dreg:$0x4] =	wrdreg $0x49400  }
0xb1: {  	[dreg:$0x5] =	wrdreg $0x9  }
0xb2: {  	_ =	task.clear_ibuf [dreg:s6], $0x6FFFF;
	_ =	strace $0x9000004C  }
0xb3: {  	s29 =	simm.s32 $0x9;
	_ =	strace $0x8000004E  }
0xb4: {  	_ =	swait.ge [sflag:s29], $0x1  }
0xb5: {  	[sflag:s29] =	ssyncadd.s32 $0xFFFFFFFF  }
0xb6: {  	_ =	strace $0x9000004E  }
0xb7: {  	_ =	sfence  }
0xb8: {  	s30 =	sld [smem:$0x0];
	_ =	sdelay $0x2  }
0xb9: {  	s31 =	sshll.u32 s1, $0xD;
	s1 =	sshrl.u32 s1, $0x2  }
0xba: {  	s3 =	sand.u32 $0x4000, s31;
	s1 =	sadd.s32 s1, s30  }
0xbb: {  	s0 =	sor.u32 s3, s0;
	s1 =	sshll.u32 s1, $0x11  }
0xbc: {  	s0 =	sor.u32 s1, s0  }
0xbd: {  	s0 =	sadd.s32 $0x8F2B, s0  }
0xbe: {  	[sflag:s0] =	ssyncadd.remote.s32 $0x1  }
0xbf: {  	_ =	sfence.sel $0xFFFF  }
0xc0: {  	[dreg:$0x0] =	wrdreg $0xFFFFFFFF;
	(pc) =	sbr.abs _section_cstart, $3  }
0xc1: {  	[dreg:$0x1] =	wrdreg $0xFFFFFFFF  }
0xc2: {  	_ =	task.clear_ibuf [dreg:s6], $0x2FFFF;
	_ =	strace $0x9FFFFFFF  }
0xc3: {  	(tm) =	ssettm $0x7FFFFFFF  }
tec
execute0_lowered:
.L_overlay_start_1:
0x0: {  	(tag) =	ssettag $0x1  }
0x1: {  	s0 =	rddreg [dreg:$0x0]  }
0x2: {  	s2 =	rddreg [dreg:$0x1]  }
0x3: {  	s3 =	rddreg [dreg:$0x2]  }
0x4: {  	s12 =	stileid.u32;
	s1 =	srdreg.scid  }
0x5: {  	s4 =	simm.s32 $0x0;
	s28 =	simm.s32 $0x1;
	s29 =	simm.s32 $0x3E8  }
0x6: {  	s30 =	simm.s32 $0xB1C0;
	s31 =	simm.s32 $0xD100;
	s13 =	simm.s32 $0x14E00  }
0x7: {  	s1 =	sand.u32 $0x1, s1;
	s5 =	sshll.u32 s12, $0x1;
	s6 =	smul.u32 $0x3E8, s12  }
0x8: {  	[smem:$0x7FF] =	sst s4;
	s22 =	smul.u32 $0x7D00, s12;
	s12 =	simm.s32 $0x2  }
0x9: {  	s7 =	sor.u32 s1, s5;
	_ =	strace $0x8000004D;
	s5 =	sadd.s32 $0xC00, s0  }
0xa: {  	s1 =	ssub.s32 $0x2, s1;
	s8 =	smul.u32 $0x30D40, s7;
	s9 =	sadd.s32 s6, s0  }
0xb: {  	s6 =	sadd.s32 $0x187600, s0;
	s7 =	sshll.u32 s7, $0x1;
	s14 =	sshrl.u32 s1, $0x1  }
0xc: {  	s25 =	sshrl.u32 s22, $0x2;
	s0 =	sadd.s32 s7, s0;
	s1 =	ssub.s32 s1, s14  }
0xd: {  	s26 =	sadd.s32 s25, s3;
	s22 =	sadd.s32 $0x30E000, s9;
	s14 =	simm.s32 $0x16D40  }
0xe: {  	s10 =	sshrl.u32 s8, $0x3;
	s0 =	sadd.s32 $0x33F000, s0;
	[dreg:$0x10] =	wrdreg s26  }
0xf: {  	s18 =	sadd.s32 $0x3E8, s8;
	s1 =	smax.u32 s1, $0x1;
	[dreg:$0xe] =	wrdreg s0  }
0x10: {  	s19 =	sadd.s32 $0x61ABE8, s8;
	s23 =	sadd.s32 $0xBB8, s8;
	[dreg:$0xf] =	wrdreg s1  }
0x11: {  	s26 =	simm.s32 $0x9E38;
	s15 =	sadd.s32 s5, s10;
	[dreg:$0xd] =	wrdreg s23  }
0x12: {  	s11 =	sadd.s32 $0xC3500, s10;
	s17 =	sadd.s32 s6, s10;
	[dreg:$0x4] =	wrdreg s15  }
0x13: {  	s7 =	sshrl.u32 s18, $0x3;
	s0 =	sadd.s32 s25, s2;
	[dreg:$0x6] =	wrdreg s17  }
0x14: {  	s10 =	sshrl.u32 s19, $0x3;
	s16 =	sadd.s32 s5, s11;
	[dreg:$0x11] =	wrdreg s0  }
0x15: {  	s25 =	simm.s32 $0x9A50;
	s11 =	sadd.s32 s6, s11;
	[dreg:$0x5] =	wrdreg s16  }
0x16: {  	s1 =	simm.s32 $0x12EC0;
	s20 =	sadd.s32 s5, s7;
	[dreg:$0x7] =	wrdreg s11  }
0x17: {  	s21 =	sadd.s32 s5, s10;
	s7 =	sadd.s32 s6, s7;
	[dreg:$0x8] =	wrdreg s20  }
0x18: {  	s24 =	sadd.s32 s6, s10;
	s0 =	simm.s32 $0xF040;
	[dreg:$0x9] =	wrdreg s21  }
0x19: {  	s17 =	simm.s32 $0x18C80;
	s10 =	simm.s32 $0x0;
	[dreg:$0xa] =	wrdreg s7  }
0x1a: {  	v0 =	vlaneseq.u32;
	[dreg:$0xb] =	wrdreg s24;
	s16 =	sadd.s32 $0x7D0, s8;
	s21 =	sadd.s32 $0x326800, s9  }
0x1b: {  	v0 =	vmul.u32 $0x8, v0;
	s7 =	simm.s32 $0x10F80;
	s11 =	simm.s32 $0x9668;
	[dreg:$0xc] =	wrdreg s16  }
.LBB2_1:
0x1c: {  	s9 =	stileid.u32  }
0x1d: {  	p0 =	sgt.u32 s9, $0x63  }
0x1e: {  	[dreg:$0x12] =	wrdreg s10;
	s8 =	sadd.s32 @!p0 $0x0, s22  }
0x1f: {  	s15 =	simm.s32 @!p0 $0x0;
	s16 =	simm.s32 @!p0 $0x1ABC0;
	s19 =	simm.s32 @!p0 $0x4  }
0x20: {  	[tilespmem:s16], [sflag:$0x4] =	stream.linear.gather @!p0 [hbm4b:s8+s15], $0x1F40, $0x38;
	[tilespmem:$0x1CB10] =	vst v63  }
0x21: {  	_ =	swait.ge @!p0 [sflag:s19], $0x1F40  }
0x22: {  	[sflag:s19] =	ssyncset.done @!p0 $0x0;
	p0 =	por p0, p0  }
0x23: {  	s20 =	rddreg [dreg:$0x11];
	[sflag:s19] =	ssyncadd.s32 @!p0 $0xFFFFE0C0  }
0x24: {  	[spmem:s20] =	stream.linear.scatter @!p0 [tilespmem:s16], [sflag:$0x4], $0x1F40, $0x38;
	[tilespmem:$0x1CB10] =	vst v63  }
0x25: {  	_ =	swait.ge @!p0 [sflag:s19], $0x1F40  }
0x26: {  	[sflag:s19] =	ssyncset.done @!p0 $0x0  }
0x27: {  	s8 =	sadd.s32 @!p0 $0x0, s21;
	[sflag:s19] =	ssyncadd.s32 @!p0 $0xFFFFE0C0  }
0x28: {  	[tilespmem:s16], [sflag:$0x4] =	stream.linear.gather @!p0 [hbm4b:s8+s15], $0x1F40, $0x38;
	[tilespmem:$0x1CB10] =	vst v63  }
0x29: {  	_ =	swait.ge @!p0 [sflag:s19], $0x1F40  }
0x2a: {  	s18 =	simm.s32 $0x3E80;
	[sflag:s19] =	ssyncset.done @!p0 $0x0  }
0x2b: {  	s20 =	sadd.s32 $0x1F400, s20;
	s10 =	rddreg [dreg:$0x10];
	[sflag:s19] =	ssyncadd.s32 @!p0 $0xFFFFE0C0  }
0x2c: {  	[spmem:s10] =	stream.linear.scatter @!p0 [tilespmem:s16], [sflag:$0x3], $0x1F40, $0x38;
	[tilespmem:$0x1CB10] =	vst v63  }
0x2d: {  	s15 =	simm.s32 $0x7D00;
	s8 =	simm.s32 @!p0 $0x3;
	s16 =	sadd.s32 $0x10, s9  }
0x2e: {  	s19 =	sadd.s32 $0x1F400, s10;
	p1 =	sgt.u32 s16, $0x63;
	_ =	swait.ge @!p0 [sflag:s8], $0x1F40  }
.LBB2_2:
0x2f: {  	s9 =	sadd.s32 @!p1 s18, s22;
	s23 =	simm.s32 @!p1 $0x0;
	[sflag:s8] =	ssyncset.done @!p0 $0x0  }
0x30: {  	s10 =	simm.s32 @!p1 $0x1ABC0;
	s24 =	simm.s32 @!p1 $0x4;
	[sflag:s8] =	ssyncadd.s32 @!p0 $0xFFFFE0C0  }
0x31: {  	[tilespmem:s10], [sflag:$0x4] =	stream.linear.gather @!p1 [hbm4b:s9+s23], $0x1F40, $0x38;
	[tilespmem:$0x1CB10] =	vst v63  }
0x32: {  	s8 =	smov.u32 s15;
	s15 =	sadd.s32 $0x3E80, s15;
	_ =	swait.ge @!p1 [sflag:s24], $0x1F40  }
0x33: {  	p0 =	por p1, p1;
	p2 =	sne.s32 s15, $0x1B580;
	[sflag:s24] =	ssyncset.done @!p1 $0x0  }
0x34: {  	[sflag:s24] =	ssyncadd.s32 @!p0 $0xFFFFE0C0  }
0x35: {  	[spmem:s20] =	stream.linear.scatter @!p0 [tilespmem:s10], [sflag:$0x4], $0x1F40, $0x38;
	[tilespmem:$0x1CB10] =	vst v63  }
0x36: {  	_ =	swait.ge @!p0 [sflag:s24], $0x1F40  }
0x37: {  	s9 =	sadd.s32 @!p0 s18, s21;
	s18 =	smov.u32 s8;
	[sflag:s24] =	ssyncset.done @!p0 $0x0  }
0x38: {  	[sflag:s24] =	ssyncadd.s32 @!p0 $0xFFFFE0C0  }
0x39: {  	[tilespmem:s10], [sflag:$0x4] =	stream.linear.gather @!p0 [hbm4b:s9+s23], $0x1F40, $0x38;
	[tilespmem:$0x1CB10] =	vst v63  }
.Ltmp0:
0x3a: {  	_ =	swait.ge @!p0 [sflag:s24], $0x1F40;
	(pc) =	sbr.rel @p2 .LBB2_2-.Ltmp0, $4  }
0x3b: {  	s20 =	sadd.s32 $0x1F400, s20;
	[sflag:s24] =	ssyncset.done @!p0 $0x0  }
0x3c: {  	s16 =	sadd.s32 $0x10, s16;
	s8 =	simm.s32 @!p0 $0x3;
	[sflag:s24] =	ssyncadd.s32 @!p0 $0xFFFFE0C0  }
0x3d: {  	[spmem:s19] =	stream.linear.scatter @!p0 [tilespmem:s10], [sflag:$0x3], $0x1F40, $0x38;
	[tilespmem:$0x1CB10] =	vst v63  }
0x3e: {  	p1 =	sgt.u32 s16, $0x63;
	s19 =	sadd.s32 $0x1F400, s19;
	_ =	swait.ge @!p0 [sflag:s8], $0x1F40  }
0x3f: {  	s9 =	sadd.s32 @!p1 s18, s22;
	[sflag:s8] =	ssyncset.done @!p0 $0x0  }
0x40: {  	s10 =	simm.s32 @!p1 $0x0;
	[sflag:s8] =	ssyncadd.s32 @!p0 $0xFFFFE0C0;
	s8 =	simm.s32 @!p1 $0x1ABC0  }
0x41: {  	[tilespmem:s8], [sflag:$0x4] =	stream.linear.gather @!p1 [hbm4b:s9+s10], $0x1F40, $0x38;
	[tilespmem:$0x1CB10] =	vst v63  }
0x42: {  	s9 =	simm.s32 @!p1 $0x4  }
0x43: {  	_ =	swait.ge @!p1 [sflag:s9], $0x1F40  }
0x44: {  	p0 =	por p1, p1;
	[sflag:s9] =	ssyncset.done @!p1 $0x0  }
0x45: {  	[sflag:s9] =	ssyncadd.s32 @!p0 $0xFFFFE0C0  }
0x46: {  	[spmem:s20] =	stream.linear.scatter @!p0 [tilespmem:s8], [sflag:$0x4], $0x1F40, $0x38;
	[tilespmem:$0x1CB10] =	vst v63  }
0x47: {  	_ =	swait.ge @!p0 [sflag:s9], $0x1F40  }
0x48: {  	[sflag:s9] =	ssyncset.done @!p0 $0x0  }
0x49: {  	s15 =	sadd.s32 @!p0 s18, s21;
	[sflag:s9] =	ssyncadd.s32 @!p0 $0xFFFFE0C0  }
0x4a: {  	[tilespmem:s8], [sflag:$0x4] =	stream.linear.gather @!p0 [hbm4b:s15+s10], $0x1F40, $0x38;
	[tilespmem:$0x1CB10] =	vst v63  }
0x4b: {  	_ =	swait.ge @!p0 [sflag:s9], $0x1F40  }
0x4c: {  	[sflag:s9] =	ssyncset.done @!p0 $0x0  }
0x4d: {  	[sflag:s9] =	ssyncadd.s32 @!p0 $0xFFFFE0C0  }
0x4e: {  	[spmem:s19] =	stream.linear.scatter @!p0 [tilespmem:s8], [sflag:$0x3], $0x1F40, $0x38;
	[tilespmem:$0x1CB10] =	vst v63  }
0x4f: {  	s8 =	simm.s32 @!p0 $0x3  }
0x50: {  	_ =	swait.ge @!p0 [sflag:s8], $0x1F40  }
0x51: {  	[sflag:s8] =	ssyncset.done @!p0 $0x0  }
0x52: {  	[sflag:s8] =	ssyncadd.s32 @!p0 $0xFFFFE0C0  }
0x53: {  	[bflag:$0x0] =	sbarrier.arrive $0xFFFF  }
0x54: {  	s24 =	simm.s32 $0x9280;
	s19 =	simm.s32 $0x0;
	s18 =	rddreg [dreg:$0x4]  }
0x55: {  	[tilespmem:s24], [sflag:$0x1] =	stream.linear.gather [hbm4b:s18+s19], $0x3E8, $0x38;
	[tilespmem:$0x1CB10] =	vst v63  }
0x56: {  	s23 =	simm.s32 $0x9668;
	s20 =	rddreg [dreg:$0x5]  }
0x57: {  	[tilespmem:s23], [sflag:$0x1] =	stream.linear.gather [hbm4b:s20+s19], $0x3E8, $0x38;
	[tilespmem:$0x1CB10] =	vst v63  }
0x58: {  	s10 =	rddreg [dreg:$0x6]  }
0x59: {  	[tilespmem:s25], [sflag:$0x1] =	stream.linear.gather [hbm4b:s10+s19], $0x3E8, $0x38;
	[tilespmem:$0x1CB10] =	vst v63  }
0x5a: {  	s15 =	rddreg [dreg:$0x7]  }
0x5b: {  	[tilespmem:s26], [sflag:$0x1] =	stream.linear.gather [hbm4b:s15+s19], $0x3E8, $0x38;
	[tilespmem:$0x1CB10] =	vst v63  }
0x5c: {  	_ =	swait.ge [sflag:s28], $0x3E8  }
0x5d: {  	[sflag:s28] =	ssyncset.done $0x0  }
0x5e: {  	[sflag:s28] =	ssyncadd.s32 $0xFFFFFC18  }
0x5f: {  	_ =	swait.ge [sflag:s28], $0x3E8  }
0x60: {  	[sflag:s28] =	ssyncset.done $0x0  }
0x61: {  	[sflag:s28] =	ssyncadd.s32 $0xFFFFFC18  }
0x62: {  	_ =	swait.ge [sflag:s28], $0x3E8  }
0x63: {  	[sflag:s28] =	ssyncset.done $0x0  }
0x64: {  	[sflag:s28] =	ssyncadd.s32 $0xFFFFFC18  }
0x65: {  	_ =	swait.ge [sflag:s28], $0x3E8  }
0x66: {  	[sflag:s28] =	ssyncset.done $0x0  }
0x67: {  	[sflag:s28] =	ssyncadd.s32 $0xFFFFFC18  }
0x68: {  	[tilespmem:s30], [sflag:$0x2] =	stream.indirect.gather [spmem:s2], $0x3, s24, s29, $0xb8;
	[tilespmem:$0x1CB10] =	vst v63  }
0x69: {  	_ = 	snop  }
0x6a: {  	[tilespmem:s31], [sflag:$0x2] =	stream.indirect.gather [spmem:s2], $0x3, s23, s29, $0xb8;
	[tilespmem:$0x1CB10] =	vst v63  }
0x6b: {  	_ = 	snop  }
0x6c: {  	[tilespmem:s0], [sflag:$0x2] =	stream.indirect.gather [spmem:s3], $0x3, s25, s29, $0xb8;
	[tilespmem:$0x1CB10] =	vst v63  }
0x6d: {  	s16 =	rddreg [dreg:$0x8]  }
0x6e: {  	[tilespmem:s7], [sflag:$0x2] =	stream.indirect.gather [spmem:s3], $0x3, s26, s29, $0xb8;
	[tilespmem:$0x1CB10] =	vst v63  }
0x6f: {  	s15 =	simm.s32 $0xA220;
	s18 =	rddreg [dreg:$0x9]  }
0x70: {  	[tilespmem:s15], [sflag:$0x1] =	stream.linear.gather [hbm4b:s16+s19], $0x3E8, $0x38;
	[tilespmem:$0x1CB10] =	vst v63  }
0x71: {  	s10 =	simm.s32 $0xA608;
	s20 =	rddreg [dreg:$0xa]  }
0x72: {  	[tilespmem:s10], [sflag:$0x1] =	stream.linear.gather [hbm4b:s18+s19], $0x3E8, $0x38;
	[tilespmem:$0x1CB10] =	vst v63  }
0x73: {  	s23 =	rddreg [dreg:$0xb];
	s18 =	simm.s32 $0xA9F0  }
0x74: {  	[tilespmem:s18], [sflag:$0x1] =	stream.linear.gather [hbm4b:s20+s19], $0x3E8, $0x38;
	[tilespmem:$0x1CB10] =	vst v63  }
0x75: {  	s9 =	simm.s32 $0xADD8;
	s16 =	rddreg [dreg:$0xc]  }
0x76: {  	[tilespmem:s9], [sflag:$0x1] =	stream.linear.gather [hbm4b:s23+s19], $0x3E8, $0x38;
	[tilespmem:$0x1CB10] =	vst v63  }
0x77: {  	v1 =	vimm.f32 $0.0e+00;
	s20 =	simm.s32 $0x0;
	s23 =	rddreg [dreg:$0xd]  }
.LBB2_4:
0x78: {  	_ =	swait.ge [sflag:s28], $0x3E8  }
0x79: {  	[sflag:s28] =	ssyncset.done $0x0  }
0x7a: {  	[sflag:s28] =	ssyncadd.s32 $0xFFFFFC18  }
0x7b: {  	_ =	swait.ge [sflag:s28], $0x3E8  }
0x7c: {  	[sflag:s28] =	ssyncset.done $0x0  }
0x7d: {  	[sflag:s28] =	ssyncadd.s32 $0xFFFFFC18  }
0x7e: {  	_ =	swait.ge [sflag:s28], $0x3E8  }
0x7f: {  	[sflag:s28] =	ssyncset.done $0x0  }
0x80: {  	[sflag:s28] =	ssyncadd.s32 $0xFFFFFC18  }
0x81: {  	_ =	swait.ge [sflag:s28], $0x3E8  }
0x82: {  	[sflag:s28] =	ssyncset.done $0x0  }
0x83: {  	[sflag:s28] =	ssyncadd.s32 $0xFFFFFC18  }
0x84: {  	_ =	swait.ge [sflag:s12], $0xBB8  }
0x85: {  	[sflag:s12] =	ssyncset.done $0x0  }
0x86: {  	[sflag:s12] =	ssyncadd.s32 $0xFFFFF448  }
0x87: {  	_ =	swait.ge [sflag:s12], $0xBB8  }
0x88: {  	[sflag:s12] =	ssyncset.done $0x0  }
0x89: {  	[sflag:s12] =	ssyncadd.s32 $0xFFFFF448  }
0x8a: {  	_ =	swait.ge [sflag:s12], $0xBB8  }
0x8b: {  	[sflag:s12] =	ssyncset.done $0x0  }
0x8c: {  	[sflag:s12] =	ssyncadd.s32 $0xFFFFF448  }
0x8d: {  	_ =	swait.ge [sflag:s12], $0xBB8  }
0x8e: {  	[sflag:s12] =	ssyncset.done $0x0  }
0x8f: {  	[sflag:s12] =	ssyncadd.s32 $0xFFFFF448  }
0x90: {  	[tilespmem:s1], [sflag:$0x2] =	stream.indirect.gather [spmem:s2], $0x3, s15, s29, $0xb8;
	[tilespmem:$0x1CB10] =	vst v63  }
0x91: {  	s8 =	sshll.u32 s20, $0x1  }
0x92: {  	[tilespmem:s13], [sflag:$0x2] =	stream.indirect.gather [spmem:s2], $0x3, s10, s29, $0xb8;
	[tilespmem:$0x1CB10] =	vst v63  }
0x93: {  	s8 =	smin.u32 s8, $0xC4  }
0x94: {  	[tilespmem:s14], [sflag:$0x2] =	stream.indirect.gather [spmem:s3], $0x3, s18, s29, $0xb8;
	[tilespmem:$0x1CB10] =	vst v63  }
0x95: {  	s18 =	smul.u32 $0x3E8, s8  }
0x96: {  	[tilespmem:s17], [sflag:$0x2] =	stream.indirect.gather [spmem:s3], $0x3, s9, s29, $0xb8;
	[tilespmem:$0x1CB10] =	vst v63  }
0x97: {  	s8 =	sadd.s32 s18, s16  }
0x98: {  	s8 =	sshrl.u32 s8, $0x3  }
0x99: {  	s10 =	sadd.s32 s5, s8;
	s9 =	sadd.s32 $0xC3500, s8  }
0x9a: {  	v2 =	vmov s19;
	[tilespmem:s24], [sflag:$0x1] =	stream.linear.gather [hbm4b:s10+s19], $0x3E8, $0x38;
	[tilespmem:$0x1CB10] =	vst v63  }
0x9b: {  	v2 =	vshll.u32 v2, $0x3;
	s15 =	sadd.s32 s5, s9  }
0x9c: {  	v2 =	vor.u32 v0, v2;
	[tilespmem:s11], [sflag:$0x1] =	stream.linear.gather [hbm4b:s15+s19], $0x3E8, $0x38;
	[tilespmem:$0x1CB10] =	vst v63  }
0x9d: {  	s8 =	sadd.s32 s6, s8  }
0x9e: {  	v3 =	vor.u32 $0x2, v2;
	[tilespmem:s25], [sflag:$0x1] =	stream.linear.gather [hbm4b:s8+s19], $0x3E8, $0x38;
	[tilespmem:$0x1CB10] =	vst v63  }
0x9f: {  	v4 =	vor.u32 $0x1, v2;
	s15 =	sadd.s32 s6, s9  }
0xa0: {  	[tilespmem:s26], [sflag:$0x1] =	stream.linear.gather [hbm4b:s15+s19], $0x3E8, $0x38;
	[tilespmem:$0x1CB10] =	vst v63  }
0xa1: {  	v5 =	vld.idx.msk [tilespmem:v2+s0+$0x0], $0xffff  }
0xa2: {  	v6 =	vld.idx.msk [tilespmem:v2+s7+$0x0], $0xffff  }
0xa3: {  	s9 =	simm.s32 $0x10;
	v8 =	vld.idx.msk [tilespmem:v3+s0+$0x0], $0xffff  }
0xa4: {  	v7 =	vmov s9;
	v9 =	vld.idx.msk [tilespmem:v4+s0+$0x0], $0xffff  }
0xa5: {  	v7 =	vshll.u32 v7, $0x3;
	v10 =	vld.idx.msk [tilespmem:v4+s7+$0x0], $0xffff  }
0xa6: {  	v7 =	vor.u32 v0, v7;
	v11 =	vld.idx.msk [tilespmem:v3+s7+$0x0], $0xffff  }
0xa7: {  	v12 =	vld.idx.msk [tilespmem:v2+s30+$0x0], $0xffff  }
0xa8: {  	v2 =	vld.idx.msk [tilespmem:v2+s31+$0x0], $0xffff  }
0xa9: {  	v16 =	vld.idx.msk [tilespmem:v3+s30+$0x0], $0xffff  }
0xaa: {  	v3 =	vld.idx.msk [tilespmem:v3+s31+$0x0], $0xffff;
	v5 =	vsub.f32 v5, v6;
	v9 =	vsub.f32 v9, v10  }
0xab: {  	v14 =	vor.u32 $0x2, v7;
	v13 =	vld.idx.msk [tilespmem:v7+s0+$0x0], $0xffff;
	v6 =	vor.u32 $0x1, v7  }
0xac: {  	v15 =	vld.idx.msk [tilespmem:v7+s7+$0x0], $0xffff;
	v8 =	vsub.f32 v8, v11;
	v5 =	vmul.f32 v5, v5;
	v9 =	vmul.f32 v9, v9  }
0xad: {  	v20 =	vld.idx.msk [tilespmem:v7+s30+$0x0], $0xffff  }
0xae: {  	v10 =	vld.idx.msk [tilespmem:v4+s30+$0x0], $0xffff;
	v8 =	vmul.f32 v8, v8;
	v5 =	vadd.f32 v9, v5  }
0xaf: {  	v4 =	vld.idx.msk [tilespmem:v4+s31+$0x0], $0xffff  }
0xb0: {  	v17 =	vld.idx.msk [tilespmem:v14+s0+$0x0], $0xffff;
	v5 =	vadd.f32 v8, v5  }
0xb1: {  	s10 =	simm.s32 $0x20;
	v9 =	vld.idx.msk [tilespmem:v6+s0+$0x0], $0xffff  }
0xb2: {  	v11 =	vmov s10;
	v18 =	vld.idx.msk [tilespmem:v6+s7+$0x0], $0xffff;
	(erf) = vrcp.f32 v5  }
0xb3: {  	v19 =	vld.idx.msk [tilespmem:v14+s7+$0x0], $0xffff;
	v12 =	vsub.f32 v12, v2;
	v11 =	vshll.u32 v11, $0x3  }
0xb4: {  	v2 =	vld.idx.msk [tilespmem:v14+s30+$0x0], $0xffff;
	v11 =	vor.u32 v0, v11;
	v4 =	vsub.f32 v10, v4  }
0xb5: {  	s15 =	simm.s32 $0x30;
	v12 =	vmul.f32 v12, v12;
	v13 =	vsub.f32 v13, v15;
	v10 =	vsub.f32 v16, v3;
	v3 =	vld.idx.msk [tilespmem:v14+s31+$0x0], $0xffff  }
0xb6: {  	v14 =	vmov s15;
	v23 =	vld.idx.msk [tilespmem:v6+s30+$0x0], $0xffff;
	v8 =	vor.u32 $0x2, v11;
	v4 =	vmul.f32 v4, v4  }
0xb7: {  	v10 =	vmul.f32 v10, v10;
	v5 =	vld.idx.msk [tilespmem:v7+s31+$0x0], $0xffff;
	v7 =	vor.u32 $0x1, v11;
	v9 =	vsub.f32 v9, v18  }
0xb8: {  	v4 =	vadd.f32 v4, v12;
	v12 =	vsub.f32 v17, v19;
	v19 =	vld.idx.msk [tilespmem:v6+s31+$0x0], $0xffff;
	v6 =	vshll.u32 v14, $0x3  }
0xb9: {  	v15 =	vmul.f32 v13, v13;
	v21 =	vld.idx.msk [tilespmem:v11+s0+$0x0], $0xffff;
	v9 =	vmul.f32 v9, v9  }
0xba: {  	v22 =	vld.idx.msk [tilespmem:v11+s7+$0x0], $0xffff;
	v4 =	vadd.f32 v10, v4  }
0xbb: {  	v13 =	vld.idx.msk [tilespmem:v8+s0+$0x0], $0xffff;
	v12 =	vmul.f32 v12, v12;
	v10 =	vadd.f32 v9, v15;
	v9 =	vor.u32 v0, v6;
	v6 =	vpop (erf)  }
0xbc: {  	v17 =	vld.idx.msk [tilespmem:v7+s7+$0x0], $0xffff;
	v4 =	vmul.f32 v6, v4  }
0xbd: {  	v10 =	vadd.f32 v12, v10;
	v6 =	vld.idx.msk [tilespmem:v11+s30+$0x0], $0xffff  }
0xbe: {  	v24 =	vadd.f32 $-1.000000000e+00, v4;
	v4 =	vld.idx.msk [tilespmem:v11+s31+$0x0], $0xffff;
	v11 =	vsub.f32 v23, v19;
	v19 =	vmov v9  }
0xbf: {  	v15 =	vld.idx.msk [tilespmem:v7+s0+$0x0], $0xffff  }
0xc0: {  	v16 =	vld.idx.msk [tilespmem:v8+s7+$0x0], $0xffff;
	(erf) = vrcp.f32 v10  }
0xc1: {  	v18 =	vsub.f32 v21, v22  }
0xc2: {  	s15 =	simm.s32 $0x40;
	v12 =	vor.u32 $0x2, v9;
	v10 =	vsub.f32 v20, v5;
	v14 =	vld.idx.msk [tilespmem:v9+s0+$0x0], $0xffff;
	v5 =	vand.u32 $0x7FFFFFFF, v24  }
.LBB2_5:
0xc3: {  	p0 =	sne.s32 s15, $0x3D0;
	v20 =	vor.u32 $0x1, v9;
	v21 =	vld.idx.msk [tilespmem:v19+s7+$0x0], $0xffff;
	v19 =	vsub.f32 v2, v3;
	v1 =	vadd.f32 v5, v1  }
0xc4: {  	v5 =	vsub.f32 v15, v17;
	v10 =	vmul.f32 v10, v10;
	v2 =	vld.idx.msk [tilespmem:v8+s30+$0x0], $0xffff;
	v11 =	vmul.f32 v11, v11  }
0xc5: {  	v15 =	vmov s15;
	v16 =	vsub.f32 v13, v16;
	v17 =	vmul.f32 v18, v18;
	v3 =	vld.idx.msk [tilespmem:v8+s31+$0x0], $0xffff;
	v8 =	vmovc v12  }
0xc6: {  	v5 =	vmul.f32 v5, v5;
	v24 =	vmul.f32 v19, v19;
	v22 =	vld.idx.msk [tilespmem:v7+s30+$0x0], $0xffff;
	v10 =	vadd.f32 v11, v10  }
0xc7: {  	v15 =	vshll.u32 v15, $0x3;
	v18 =	vmov v6;
	v23 =	vld.idx.msk [tilespmem:v7+s31+$0x0], $0xffff;
	v7 =	vmov v20  }
0xc8: {  	v6 =	vmul.f32 v16, v16;
	v5 =	vadd.f32 v5, v17;
	v13 =	vld.idx.msk [tilespmem:v12+s0+$0x0], $0xffff;
	v10 =	vadd.f32 v24, v10  }
0xc9: {  	v19 =	vor.u32 v0, v15;
	v15 =	vld.idx.msk [tilespmem:v20+s0+$0x0], $0xffff;
	v11 =	vpop (erf)  }
.Ltmp1:
0xca: {  	v5 =	vadd.f32 v6, v5;
	v17 =	vld.idx.msk [tilespmem:v20+s7+$0x0], $0xffff;
	v10 =	vmul.f32 v11, v10;
	(pc) =	sbr.rel @p0 .LBB2_5-.Ltmp1, $4  }
0xcb: {  	v16 =	vld.idx.msk [tilespmem:v12+s7+$0x0], $0xffff  }
0xcc: {  	v6 =	vld.idx.msk [tilespmem:v9+s30+$0x0], $0xffff;
	(erf) = vrcp.f32 v5;
	v5 =	vadd.f32 $-1.000000000e+00, v10  }
0xcd: {  	v12 =	vor.u32 $0x2, v19;
	v10 =	vsub.f32 v18, v4;
	v4 =	vld.idx.msk [tilespmem:v9+s31+$0x0], $0xffff;
	v9 =	vmov v19  }
0xce: {  	s15 =	sadd.s32 $0x10, s15;
	v18 =	vsub.f32 v14, v21;
	v11 =	vsub.f32 v22, v23;
	v14 =	vld.idx.msk [tilespmem:v19+s0+$0x0], $0xffff;
	v5 =	vand.u32 $0x7FFFFFFF, v5  }
0xcf: {  	v20 =	vor.u32 $0x1, v9;
	_ =	sdelay $0x3  }
0xd0: {  	v19 =	vld.idx.msk [tilespmem:v19+s7+$0x0], $0xffff  }
0xd1: {  	v21 =	vld.idx.msk [tilespmem:v20+s0+$0x0], $0xffff  }
0xd2: {  	v22 =	vld.idx.msk [tilespmem:v20+s7+$0x0], $0xffff  }
0xd3: {  	v23 =	vld.idx.msk [tilespmem:v12+s0+$0x0], $0xffff  }
0xd4: {  	v24 =	vld.idx.msk [tilespmem:v12+s7+$0x0], $0xffff;
	_ =	sdelay $0x1  }
0xd5: {  	v15 =	vsub.f32 v15, v17  }
0xd6: {  	v14 =	vsub.f32 v14, v19;
	v17 =	vsub.f32 v21, v22  }
0xd7: {  	v13 =	vsub.f32 v13, v16;
	v16 =	vmul.f32 v18, v18;
	v15 =	vmul.f32 v15, v15  }
0xd8: {  	v18 =	vsub.f32 v23, v24;
	v14 =	vmul.f32 v14, v14;
	v17 =	vmul.f32 v17, v17  }
0xd9: {  	v13 =	vmul.f32 v13, v13;
	v15 =	vadd.f32 v15, v16  }
0xda: {  	v16 =	vmul.f32 v18, v18;
	v14 =	vadd.f32 v17, v14  }
0xdb: {  	v13 =	vadd.f32 v13, v15  }
0xdc: {  	v14 =	vadd.f32 v16, v14  }
0xdd: {  	(erf) = vrcp.f32 v13  }
0xde: {  	(erf) = vrcp.f32 v14  }
0xdf: {  	v19 =	vld.idx.msk [tilespmem:v20+s30+$0x0], $0xffff  }
0xe0: {  	v20 =	vld.idx.msk [tilespmem:v20+s31+$0x0], $0xffff  }
0xe1: {  	v15 =	vld.idx.msk [tilespmem:v9+s30+$0x0], $0xffff  }
0xe2: {  	v9 =	vld.idx.msk [tilespmem:v9+s31+$0x0], $0xffff  }
0xe3: {  	v13 =	vld.idx.msk [tilespmem:v8+s30+$0x0], $0xffff  }
0xe4: {  	v8 =	vld.idx.msk [tilespmem:v8+s31+$0x0], $0xffff  }
0xe5: {  	v16 =	vld.idx.msk [tilespmem:v12+s30+$0x0], $0xffff;
	v17 =	vpop (erf)  }
0xe6: {  	v12 =	vld.idx.msk [tilespmem:v12+s31+$0x0], $0xffff;
	v18 =	vpop (erf)  }
0xe7: {  	v14 =	vld.idx.msk [tilespmem:v7+s30+$0x0], $0xffff;
	v52 =	vpop (erf)  }
0xe8: {  	v7 =	vld.idx.msk [tilespmem:v7+s31+$0x0], $0xffff;
	_ =	swait.ge [sflag:s28], $0x3E8  }
0xe9: {  	[sflag:s28] =	ssyncset.done $0x0  }
0xea: {  	[sflag:s28] =	ssyncadd.s32 $0xFFFFFC18  }
0xeb: {  	_ =	swait.ge [sflag:s28], $0x3E8  }
0xec: {  	[sflag:s28] =	ssyncset.done $0x0  }
0xed: {  	[sflag:s28] =	ssyncadd.s32 $0xFFFFFC18  }
0xee: {  	_ =	swait.ge [sflag:s28], $0x3E8  }
0xef: {  	[sflag:s28] =	ssyncset.done $0x0  }
0xf0: {  	[sflag:s28] =	ssyncadd.s32 $0xFFFFFC18  }
0xf1: {  	_ =	swait.ge [sflag:s28], $0x3E8  }
0xf2: {  	[sflag:s28] =	ssyncset.done $0x0  }
0xf3: {  	[sflag:s28] =	ssyncadd.s32 $0xFFFFFC18  }
0xf4: {  	_ =	swait.ge [sflag:s12], $0xBB8  }
0xf5: {  	[sflag:s12] =	ssyncset.done $0x0  }
0xf6: {  	[sflag:s12] =	ssyncadd.s32 $0xFFFFF448  }
0xf7: {  	_ =	swait.ge [sflag:s12], $0xBB8  }
0xf8: {  	[sflag:s12] =	ssyncset.done $0x0  }
0xf9: {  	[sflag:s12] =	ssyncadd.s32 $0xFFFFF448  }
0xfa: {  	_ =	swait.ge [sflag:s12], $0xBB8  }
0xfb: {  	[sflag:s12] =	ssyncset.done $0x0  }
0xfc: {  	[sflag:s12] =	ssyncadd.s32 $0xFFFFF448  }
0xfd: {  	_ =	swait.ge [sflag:s12], $0xBB8  }
0xfe: {  	[sflag:s12] =	ssyncset.done $0x0  }
0xff: {  	s8 =	simm.s32 $0x0;
	[sflag:s12] =	ssyncadd.s32 $0xFFFFF448  }
0x100: {  	v53 =	vmov s8;
	[tilespmem:s30], [sflag:$0x2] =	stream.indirect.gather [spmem:s2], $0x3, s24, s29, $0xb8;
	[tilespmem:$0x1CB10] =	vst v63  }
0x101: {  	v22 =	vshll.u32 v53, $0x3  }
0x102: {  	v22 =	vor.u32 v0, v22;
	[tilespmem:s31], [sflag:$0x2] =	stream.indirect.gather [spmem:s2], $0x3, s11, s29, $0xb8;
	[tilespmem:$0x1CB10] =	vst v63  }
0x103: {  	_ = 	snop  }
0x104: {  	v54 =	vor.u32 $0x2, v22;
	[tilespmem:s0], [sflag:$0x2] =	stream.indirect.gather [spmem:s3], $0x3, s25, s29, $0xb8;
	[tilespmem:$0x1CB10] =	vst v63  }
0x105: {  	v55 =	vor.u32 $0x1, v22  }
0x106: {  	[tilespmem:s7], [sflag:$0x2] =	stream.indirect.gather [spmem:s3], $0x3, s26, s29, $0xb8;
	[tilespmem:$0x1CB10] =	vst v63  }
0x107: {  	s9 =	simm.s32 $0x10;
	v2 =	vsub.f32 v2, v3;
	v25 =	vld.idx.msk [tilespmem:v22+s14+$0x0], $0xffff  }
0x108: {  	v10 =	vmul.f32 v10, v10;
	v26 =	vmov s9;
	v11 =	vmul.f32 v11, v11;
	v3 =	vld.idx.msk [tilespmem:v22+s17+$0x0], $0xffff  }
0x109: {  	v26 =	vshll.u32 v26, $0x3;
	v4 =	vsub.f32 v6, v4;
	v6 =	vsub.f32 v14, v7;
	v27 =	vld.idx.msk [tilespmem:v54+s14+$0x0], $0xffff  }
0x10a: {  	v10 =	vadd.f32 v11, v10;
	v7 =	vor.u32 v0, v26;
	v14 =	vld.idx.msk [tilespmem:v55+s14+$0x0], $0xffff  }
0x10b: {  	v4 =	vmul.f32 v4, v4;
	v8 =	vsub.f32 v13, v8;
	v6 =	vmul.f32 v6, v6;
	v11 =	vld.idx.msk [tilespmem:v55+s17+$0x0], $0xffff  }
0x10c: {  	v2 =	vmul.f32 v2, v2;
	v13 =	vld.idx.msk [tilespmem:v54+s17+$0x0], $0xffff  }
0x10d: {  	v4 =	vadd.f32 v6, v4;
	v6 =	vmul.f32 v8, v8;
	v56 =	vld.idx.msk [tilespmem:v22+s1+$0x0], $0xffff  }
0x10e: {  	v2 =	vadd.f32 v2, v10;
	v8 =	vld.idx.msk [tilespmem:v22+s13+$0x0], $0xffff  }
0x10f: {  	v4 =	vadd.f32 v6, v4;
	v6 =	vor.u32 $0x2, v7;
	v10 =	vld.idx.msk [tilespmem:v7+s14+$0x0], $0xffff  }
0x110: {  	v9 =	vsub.f32 v15, v9;
	v2 =	vmul.f32 v17, v2;
	v17 =	vld.idx.msk [tilespmem:v7+s17+$0x0], $0xffff  }
0x111: {  	v15 =	vld.idx.msk [tilespmem:v54+s13+$0x0], $0xffff;
	v3 =	vsub.f32 v25, v3;
	v11 =	vsub.f32 v14, v11  }
0x112: {  	v1 =	vadd.f32 v5, v1;
	v19 =	vsub.f32 v19, v20;
	v57 =	vor.u32 $0x1, v7;
	v58 =	vld.idx.msk [tilespmem:v55+s1+$0x0], $0xffff  }
0x113: {  	s10 =	simm.s32 $0x20;
	v20 =	vld.idx.msk [tilespmem:v55+s13+$0x0], $0xffff;
	v13 =	vsub.f32 v27, v13;
	v3 =	vmul.f32 v3, v3;
	v11 =	vmul.f32 v11, v11  }
0x114: {  	v2 =	vadd.f32 $-1.000000000e+00, v2;
	v12 =	vsub.f32 v16, v12;
	v16 =	vmov s10;
	v59 =	vld.idx.msk [tilespmem:v6+s14+$0x0], $0xffff  }
0x115: {  	v4 =	vmul.f32 v18, v4;
	v18 =	vld.idx.msk [tilespmem:v7+s1+$0x0], $0xffff;
	v3 =	vadd.f32 v11, v3;
	v11 =	vmul.f32 v13, v13  }
0x116: {  	v9 =	vmul.f32 v9, v9;
	v2 =	vand.u32 $0x7FFFFFFF, v2;
	v16 =	vshll.u32 v16, $0x3;
	v14 =	vld.idx.msk [tilespmem:v54+s1+$0x0], $0xffff  }
0x117: {  	v13 =	vmul.f32 v19, v19;
	v19 =	vor.u32 v0, v16;
	v16 =	vld.idx.msk [tilespmem:v57+s14+$0x0], $0xffff;
	v3 =	vadd.f32 v11, v3  }
0x118: {  	v1 =	vadd.f32 v2, v1;
	v11 =	vld.idx.msk [tilespmem:v57+s17+$0x0], $0xffff  }
0x119: {  	v5 =	vadd.f32 v13, v9;
	v9 =	vmul.f32 v12, v12;
	v12 =	vld.idx.msk [tilespmem:v6+s17+$0x0], $0xffff;
	(erf) = vrcp.f32 v3  }
0x11a: {  	v60 =	vld.idx.msk [tilespmem:v7+s13+$0x0], $0xffff;
	v7 =	vsub.f32 v56, v8;
	v8 =	vsub.f32 v58, v20  }
0x11b: {  	v4 =	vadd.f32 $-1.000000000e+00, v4;
	v10 =	vsub.f32 v10, v17  }
0x11c: {  	v62 =	vld.idx.msk [tilespmem:v57+s13+$0x0], $0xffff;
	v7 =	vmul.f32 v7, v7;
	v8 =	vmul.f32 v8, v8;
	v13 =	vsub.f32 v14, v15  }
0x11d: {  	v17 =	vld.idx.msk [tilespmem:v57+s1+$0x0], $0xffff;
	v14 =	vand.u32 $0x7FFFFFFF, v4;
	v2 =	vadd.f32 v9, v5;
	v5 =	vor.u32 $0x2, v19  }
0x11e: {  	v4 =	vld.idx.msk [tilespmem:v6+s13+$0x0], $0xffff;
	v3 =	vor.u32 $0x1, v19;
	v11 =	vsub.f32 v16, v11;
	v12 =	vsub.f32 v59, v12  }
0x11f: {  	v7 =	vadd.f32 v8, v7;
	v8 =	vmul.f32 v13, v13;
	v61 =	vld.idx.msk [tilespmem:v19+s14+$0x0], $0xffff  }
0x120: {  	v13 =	vmul.f32 v10, v10;
	v20 =	vld.idx.msk [tilespmem:v19+s17+$0x0], $0xffff;
	v11 =	vmul.f32 v11, v11  }
0x121: {  	s15 =	simm.s32 $0x30;
	v9 =	vmul.f32 v52, v2;
	v2 =	vld.idx.msk [tilespmem:v6+s1+$0x0], $0xffff;
	v7 =	vadd.f32 v8, v7  }
0x122: {  	v6 =	vmov s15;
	v10 =	vld.idx.msk [tilespmem:v5+s14+$0x0], $0xffff;
	v8 =	vadd.f32 v11, v13;
	v11 =	vmul.f32 v12, v12;
	v12 =	vpop (erf)  }
0x123: {  	v6 =	vshll.u32 v6, $0x3;
	v16 =	vld.idx.msk [tilespmem:v3+s17+$0x0], $0xffff;
	v7 =	vmul.f32 v12, v7  }
0x124: {  	v6 =	vor.u32 v0, v6;
	v11 =	vadd.f32 v11, v8;
	v8 =	vld.idx.msk [tilespmem:v19+s1+$0x0], $0xffff  }
0x125: {  	v9 =	vadd.f32 $-1.000000000e+00, v9;
	v63 =	vadd.f32 $-1.000000000e+00, v7;
	v7 =	vld.idx.msk [tilespmem:v19+s13+$0x0], $0xffff;
	v19 =	vmov v6  }
0x126: {  	v1 =	vadd.f32 v14, v1;
	v13 =	vld.idx.msk [tilespmem:v3+s14+$0x0], $0xffff  }
0x127: {  	v17 =	vsub.f32 v17, v62;
	v15 =	vld.idx.msk [tilespmem:v5+s17+$0x0], $0xffff;
	v9 =	vand.u32 $0x7FFFFFFF, v9;
	(erf) = vrcp.f32 v11  }
0x128: {  	v14 =	vsub.f32 v18, v60;
	v1 =	vadd.f32 v9, v1  }
0x129: {  	s15 =	simm.s32 $0x40;
	v18 =	vsub.f32 v61, v20;
	v9 =	vor.u32 $0x2, v6;
	v12 =	vld.idx.msk [tilespmem:v6+s14+$0x0], $0xffff;
	v11 =	vand.u32 $0x7FFFFFFF, v63  }
.LBB2_7:
0x12a: {  	p0 =	sne.s32 s15, $0x3D0;
	v20 =	vor.u32 $0x1, v6;
	v21 =	vld.idx.msk [tilespmem:v19+s17+$0x0], $0xffff;
	v19 =	vsub.f32 v2, v4;
	v1 =	vadd.f32 v11, v1  }
0x12b: {  	v11 =	vsub.f32 v13, v16;
	v13 =	vmul.f32 v14, v14;
	v2 =	vld.idx.msk [tilespmem:v5+s1+$0x0], $0xffff;
	v14 =	vmul.f32 v17, v17  }
0x12c: {  	v16 =	vmov s15;
	v15 =	vsub.f32 v10, v15;
	v17 =	vmul.f32 v18, v18;
	v4 =	vld.idx.msk [tilespmem:v5+s13+$0x0], $0xffff;
	v5 =	vmovc v9  }
0x12d: {  	v11 =	vmul.f32 v11, v11;
	v24 =	vmul.f32 v19, v19;
	v22 =	vld.idx.msk [tilespmem:v3+s1+$0x0], $0xffff;
	v13 =	vadd.f32 v14, v13  }
0x12e: {  	v16 =	vshll.u32 v16, $0x3;
	v18 =	vmov v8;
	v23 =	vld.idx.msk [tilespmem:v3+s13+$0x0], $0xffff;
	v3 =	vmov v20  }
0x12f: {  	v8 =	vadd.f32 v11, v17;
	v10 =	vld.idx.msk [tilespmem:v9+s14+$0x0], $0xffff;
	v9 =	vmul.f32 v15, v15;
	v11 =	vadd.f32 v24, v13  }
0x130: {  	v19 =	vor.u32 v0, v16;
	v13 =	vld.idx.msk [tilespmem:v20+s14+$0x0], $0xffff;
	v14 =	vpop (erf)  }
.Ltmp2:
0x131: {  	v16 =	vld.idx.msk [tilespmem:v20+s17+$0x0], $0xffff;
	v9 =	vadd.f32 v9, v8;
	v11 =	vmul.f32 v14, v11;
	(pc) =	sbr.rel @p0 .LBB2_7-.Ltmp2, $4  }
0x132: {  	v15 =	vld.idx.msk [tilespmem:v5+s17+$0x0], $0xffff  }
0x133: {  	v8 =	vld.idx.msk [tilespmem:v6+s1+$0x0], $0xffff;
	(erf) = vrcp.f32 v9;
	v11 =	vadd.f32 $-1.000000000e+00, v11  }
0x134: {  	v14 =	vsub.f32 v18, v7;
	v9 =	vor.u32 $0x2, v19;
	v7 =	vld.idx.msk [tilespmem:v6+s13+$0x0], $0xffff;
	v6 =	vmov v19  }
0x135: {  	s15 =	sadd.s32 $0x10, s15;
	v18 =	vsub.f32 v12, v21;
	v17 =	vsub.f32 v22, v23;
	v12 =	vld.idx.msk [tilespmem:v19+s14+$0x0], $0xffff;
	v11 =	vand.u32 $0x7FFFFFFF, v11  }
0x136: {  	_ = 	snop  }
0x137: {  	v20 =	vor.u32 $0x1, v6;
	_ =	sdelay $0x2  }
0x138: {  	v19 =	vld.idx.msk [tilespmem:v19+s17+$0x0], $0xffff  }
0x139: {  	v23 =	vld.idx.msk [tilespmem:v9+s14+$0x0], $0xffff  }
0x13a: {  	v21 =	vld.idx.msk [tilespmem:v20+s14+$0x0], $0xffff  }
0x13b: {  	v22 =	vld.idx.msk [tilespmem:v20+s17+$0x0], $0xffff  }
0x13c: {  	v42 =	vld.idx.msk [tilespmem:v9+s17+$0x0], $0xffff  }
0x13d: {  	v13 =	vsub.f32 v13, v16;
	v24 =	vld.idx.msk [tilespmem:v5+s1+$0x0], $0xffff  }
0x13e: {  	v43 =	vld.idx.msk [tilespmem:v5+s13+$0x0], $0xffff  }
0x13f: {  	v46 =	vld.idx.msk [tilespmem:v3+s1+$0x0], $0xffff;
	v10 =	vsub.f32 v10, v15;
	v44 =	vmul.f32 v18, v18;
	v13 =	vmul.f32 v13, v13  }
0x140: {  	v3 =	vld.idx.msk [tilespmem:v3+s13+$0x0], $0xffff;
	v12 =	vsub.f32 v12, v19;
	v45 =	vsub.f32 v21, v22  }
0x141: {  	v48 =	vld.idx.msk [tilespmem:v6+s1+$0x0], $0xffff;
	v10 =	vmul.f32 v10, v10;
	v13 =	vadd.f32 v13, v44  }
0x142: {  	v49 =	vld.idx.msk [tilespmem:v6+s13+$0x0], $0xffff;
	v47 =	vsub.f32 v23, v42;
	v12 =	vmul.f32 v12, v12;
	v18 =	vmul.f32 v45, v45  }
0x143: {  	v53 =	vld.idx.msk [tilespmem:v9+s1+$0x0], $0xffff  }
0x144: {  	v50 =	vld.idx.msk [tilespmem:v20+s1+$0x0], $0xffff;
	v10 =	vadd.f32 v10, v13;
	v15 =	vmul.f32 v47, v47;
	v12 =	vadd.f32 v18, v12  }
0x145: {  	v52 =	vld.idx.msk [tilespmem:v20+s13+$0x0], $0xffff  }
0x146: {  	v2 =	vsub.f32 v2, v4;
	v54 =	vld.idx.msk [tilespmem:v9+s13+$0x0], $0xffff;
	(erf) = vrcp.f32 v10;
	v12 =	vadd.f32 v15, v12  }
0x147: {  	v51 =	vmul.f32 v14, v14;
	v17 =	vmul.f32 v17, v17;
	v7 =	vsub.f32 v8, v7  }
0x148: {  	v2 =	vmul.f32 v2, v2;
	v3 =	vsub.f32 v46, v3;
	(erf) = vrcp.f32 v12  }
0x149: {  	v4 =	vadd.f32 v17, v51;
	v5 =	vsub.f32 v24, v43;
	v7 =	vmul.f32 v7, v7  }
0x14a: {  	v6 =	vsub.f32 v48, v49;
	v3 =	vmul.f32 v3, v3;
	v55 =	vsub.f32 v50, v52  }
0x14b: {  	v2 =	vadd.f32 v2, v4;
	v58 =	vsub.f32 v53, v54;
	v56 =	vmul.f32 v5, v5  }
0x14c: {  	v57 =	vpop (erf);
	v6 =	vmul.f32 v6, v6;
	v3 =	vadd.f32 v3, v7;
	v59 =	vmul.f32 v55, v55  }
0x14d: {  	s8 =	sadd.s32 s18, s23;
	v2 =	vmul.f32 v57, v2  }
0x14e: {  	s8 =	sshrl.u32 s8, $0x3;
	v61 =	vmul.f32 v58, v58;
	v3 =	vadd.f32 v56, v3;
	v60 =	vadd.f32 v59, v6  }
0x14f: {  	s15 =	simm.s32 $0xA220;
	s9 =	sadd.s32 s5, s8;
	v62 =	vpop (erf)  }
0x150: {  	[tilespmem:s15], [sflag:$0x1] =	stream.linear.gather [hbm4b:s9+s4], $0x3E8, $0x38;
	v2 =	vadd.f32 $-1.000000000e+00, v2;
	v4 =	vadd.f32 v61, v60;
	v3 =	vmul.f32 v62, v3;
	[tilespmem:$0x1CB10] =	vst v63  }
0x151: {  	v1 =	vadd.f32 v11, v1;
	s20 =	sadd.s32 $0x1, s20;
	s9 =	sadd.s32 $0xC3500, s8;
	v63 =	vpop (erf)  }
0x152: {  	s18 =	simm.s32 $0xA608;
	p0 =	sne.s32 s20, $0x64;
	s10 =	sadd.s32 s5, s9;
	v2 =	vand.u32 $0x7FFFFFFF, v2;
	v3 =	vadd.f32 $-1.000000000e+00, v3;
	v4 =	vmul.f32 v63, v4  }
0x153: {  	[tilespmem:s18], [sflag:$0x1] =	stream.linear.gather [hbm4b:s10+s4], $0x3E8, $0x38;
	v1 =	vadd.f32 v2, v1;
	[tilespmem:$0x1CB10] =	vst v63  }
.Ltmp3:
0x154: {  	v2 =	vand.u32 $0x7FFFFFFF, v3;
	v3 =	vadd.f32 $-1.000000000e+00, v4;
	(pc) =	sbr.rel @p0 .LBB2_4-.Ltmp3, $4  }
0x155: {  	s8 =	sadd.s32 s6, s8;
	s18 =	simm.s32 $0xA9F0;
	v1 =	vadd.f32 v2, v1  }
0x156: {  	[tilespmem:s18], [sflag:$0x1] =	stream.linear.gather [hbm4b:s8+s4], $0x3E8, $0x38;
	v2 =	vand.u32 $0x7FFFFFFF, v3;
	[tilespmem:$0x1CB10] =	vst v63  }
0x157: {  	s10 =	simm.s32 $0xA608;
	s8 =	sadd.s32 s6, s9;
	s9 =	simm.s32 $0xADD8;
	v1 =	vadd.f32 v2, v1  }
0x158: {  	[tilespmem:s9], [sflag:$0x1] =	stream.linear.gather [hbm4b:s8+s4], $0x3E8, $0x38;
	[tilespmem:$0x1CB10] =	vst v63  }
0x159: {  	_ =	swait.ge [sflag:s12], $0xBB8  }
0x15a: {  	[sflag:s12] =	ssyncset.done $0x0  }
0x15b: {  	[sflag:s12] =	ssyncadd.s32 $0xFFFFF448  }
0x15c: {  	_ =	swait.ge [sflag:s12], $0xBB8  }
0x15d: {  	[sflag:s12] =	ssyncset.done $0x0  }
0x15e: {  	[sflag:s12] =	ssyncadd.s32 $0xFFFFF448  }
0x15f: {  	_ =	swait.ge [sflag:s12], $0xBB8  }
0x160: {  	[sflag:s12] =	ssyncset.done $0x0  }
0x161: {  	[sflag:s12] =	ssyncadd.s32 $0xFFFFF448  }
0x162: {  	_ =	swait.ge [sflag:s12], $0xBB8  }
0x163: {  	[sflag:s12] =	ssyncset.done $0x0  }
0x164: {  	[sflag:s12] =	ssyncadd.s32 $0xFFFFF448  }
0x165: {  	_ =	swait.ge [sflag:s28], $0x3E8  }
0x166: {  	[sflag:s28] =	ssyncset.done $0x0  }
0x167: {  	[sflag:s28] =	ssyncadd.s32 $0xFFFFFC18  }
0x168: {  	_ =	swait.ge [sflag:s28], $0x3E8  }
0x169: {  	[sflag:s28] =	ssyncset.done $0x0  }
0x16a: {  	[sflag:s28] =	ssyncadd.s32 $0xFFFFFC18  }
0x16b: {  	_ =	swait.ge [sflag:s28], $0x3E8  }
0x16c: {  	[sflag:s28] =	ssyncset.done $0x0  }
0x16d: {  	[sflag:s28] =	ssyncadd.s32 $0xFFFFFC18  }
0x16e: {  	_ =	swait.ge [sflag:s28], $0x3E8  }
0x16f: {  	[sflag:s28] =	ssyncset.done $0x0  }
0x170: {  	[sflag:s28] =	ssyncadd.s32 $0xFFFFFC18  }
0x171: {  	s9 =	simm.s32 $0x1CB00;
	s23 =	simm.s32 $0x3;
	s8 =	rddreg [dreg:$0xe];
	[tilespmem:$0x1CB00] =	vst v1  }
0x172: {  	[hbm4b:s8+s4] =	stream.linear.scatter [tilespmem:s9], [sflag:$0x3], $0x10, $0x38;
	[tilespmem:$0x1CB10] =	vst v63  }
0x173: {  	_ =	swait.ge [sflag:s23], $0x10  }
0x174: {  	s10 =	rddreg [dreg:$0x12]  }
0x175: {  	s24 =	rddreg [dreg:$0xf];
	s10 =	sadd.s32 $0x1, s10  }
0x176: {  	p0 =	sne.s32 s10, s24  }
.Ltmp4:
0x177: {  	_ = 	snop;
	(pc) =	sbr.rel @p0 .LBB2_1-.Ltmp4, $3  }
0x178: {  	_ =	sdelay $0x1  }
0x179: {  	[sflag:s23] =	ssyncset.done $0x0  }
0x17a: {  	[sflag:s23] =	ssyncadd.s32 $0xFFFFFFF0  }
0x17b: {  	_ =	sfence.sel $0x180000  }
0x17c: {  	[bflag:$0x0] =	sbarrier.arrive $0xFFFF  }
0x17d: {  	_ =	strace $0x9000004D  }
0x17e: {  	s0 =	stileid.u32;
	[bflag:$0x2] =	sbarrier.arrive $0xFFFF  }
0x17f: {  	p0 =	sne.s32 s0, $0x0;
	s0 =	rddreg [dreg:$0x3]  }
0x180: {  	s0 =	sadd.s32 @!p0 $0x100000, s0  }
0x181: {  	[sflag:s0] =	ssyncadd.tile.s32 @!p0 $0x1;
	_ =	shalt  }
.Lfunc_end2:
_tile_overlayer_lowered:
.L_overlay_start_2:
0x182: {  	(tag) =	ssettag $0x2  }
0x183: {  	s0 =	rddreg [dreg:$0x0];
	s2 =	stileid.u32  }
0x184: {  	s1 =	rddreg [dreg:$0x1];
	p0 =	sne.s32 s2, $0x0  }
0x185: {  	s3 =	rddreg [dreg:$0x2];
	[bflag:$0x3] =	sbarrier.arrive $0xFFFF;
	s2 =	simm.s32 @!p0 $0x1C03  }
0x186: {  	[timem:s3], [sflag:s2] =	dma.local @!p0 [hbm:s0], s1  }
0x187: {  	s0 =	simm.s32 @!p0 $0x3  }
0x188: {  	_ =	swait.ge @!p0 [sflag:s0], s1  }
0x189: {  	s1 =	ssub.s32 @!p0 $0x0, s1;
	[sflag:s0] =	ssyncset.done @!p0 $0x0  }
0x18a: {  	[sflag:s0] =	ssyncadd.s32 @!p0 s1  }
0x18b: {  	[bflag:$0x3] =	sbarrier.arrive $0xFFFF  }
0x18c: {  	_ =	shalt  }

// kernel: sparse-core-data-format-call.1.cloned.1.call-start
scs
called_computation.1_lowered:
.L_overlay_start_0:
0x0: {  	s2 =	sld [smem:$0x3FD9]  }
0x1: {  	s3 =	sld [smem:$0x3FFE];
	_ =	sdelay $0x1  }
0x2: {  	s1 =	srdreg.scid  }
0x3: {  	s0 =	sand.u32 $0x1, s1  }
0x4: {  	s18 =	sshll.u32 s0, $0xA;
	s2 =	sadd.s32 s3, s2  }
0x5: {  	s2 =	sadd.s32 s2, s18  }
0x6: {  	[smem:$0x3FC4] =	sst s2  }
0x7: {  	_ = 	snop  }
0x8: {  	s2 =	sld [smem:$0x3FC8];
	(tm) =	ssettm $0x1  }
0x9: {  	s19 =	sld [smem:$0x3FFB];
	_ =	sdelay $0x3  }
0xa: {  	_ =	strace s19  }
0xb: {  	s3 =	sld [smem:$0x3FFC];
	_ =	sdelay $0x3  }
0xc: {  	_ =	strace s3  }
0xd: {  	s3 =	sld [smem:$0x3FFD];
	_ =	sdelay $0x3  }
0xe: {  	_ =	strace s3  }
0xf: {  	_ =	strace $0x8FFFFFFF  }
0x10: {  	s20 =	sld [smem:$0x3FDB];
	_ =	sdelay $0x1  }
0x11: {  	s4 =	simm.s32 $_scs_section_size  }
0x12: {  	s5 =	simm.s32 $_size__tile_overlayer_lowered;
	s6 =	simm.s32 $_tile_overlayer_lowered  }
0x13: {  	s23 =	simm.s32 $0x1BFF;
	s22 =	sshll.u32 s6, $0x1;
	s3 =	sadd.s32 s4, s20  }
0x14: {  	s7 =	simm.s32 $0x0;
	s21 =	sshll.u32 s5, $0x1;
	s5 =	sadd.s32 s22, s3  }
0x15: {  	[timem:s7], [sflag:s23] =	dma.local [hbm:s5], s21  }
0x16: {  	_ =	swait.ge [sflag:s23], s21  }
0x17: {  	s4 =	ssub.s32 $0x0, s21;
	[sflag:s23] =	ssyncset.done $0x0  }
0x18: {  	[sflag:s23] =	ssyncadd.s32 s4;
	_ =	sdelay $0x1  }
0x19: {  	s24 =	simm.s32 $0x1B8B  }
0x1a: {  	_ =	swait.ge [sflag:s24], $0x1  }
0x1b: {  	[sflag:s24] =	ssyncset.done $0x0  }
0x1c: {  	s26 =	simm.s32 $0x1B8E;
	s25 =	sld [smem:$0x3FFE];
	[sflag:s24] =	ssyncadd.s32 $0xFFFFFFFF  }
0x1d: {  	s27 =	simm.s32 $execute0_lowered;
	[smem:$0x3FD2] =	sst s26  }
0x1e: {  	s5 =	sshll.u32 s27, $0x1;
	_ =	strace $0x80000046;
	[dreg:$0x1] =	wrdreg $0xFFFFFFFF  }
0x1f: {  	s28 =	simm.s32 $_size_execute0_lowered;
	s3 =	sadd.s32 s3, s5;
	[dreg:$0x0] =	wrdreg $0x0  }
0x20: {  	s5 =	sshll.u32 s28, $0x1;
	[dreg:$0x2] =	wrdreg s3  }
0x21: {  	[dreg:$0x3] =	wrdreg s5  }
0x22: {  	[dreg:$0x4] =	wrdreg $0xC0  }
0x23: {  	_ =	task [dreg:s7], $0x5FFFF  }
0x24: {  	[dreg:$0x1] =	wrdreg $0xFFFFFFFF  }
0x25: {  	[dreg:$0x0] =	wrdreg $0x60  }
0x26: {  	[dreg:$0x2] =	wrdreg s2  }
0x27: {  	[dreg:$0x3] =	wrdreg s25  }
0x28: {  	[dreg:$0x4] =	wrdreg $0xA  }
0x29: {  	_ =	task.clear_ibuf [dreg:s7], $0x5FFFF;
	_ =	strace $0x90000046  }
0x2a: {  	s29 =	simm.s32 $0xA;
	_ =	strace $0x80000048  }
0x2b: {  	_ =	swait.ge [sflag:s29], $0x1  }
0x2c: {  	[sflag:s29] =	ssyncadd.s32 $0xFFFFFFFF  }
0x2d: {  	_ =	strace $0x90000048  }
0x2e: {  	_ =	sfence  }
0x2f: {  	s30 =	sld [smem:$0x0];
	_ =	sdelay $0x2  }
0x30: {  	s31 =	sshll.u32 s1, $0xD;
	s1 =	sshrl.u32 s1, $0x2  }
0x31: {  	s3 =	sand.u32 $0x4000, s31;
	s1 =	sadd.s32 s1, s30  }
0x32: {  	s0 =	sor.u32 s3, s0;
	s1 =	sshll.u32 s1, $0x11  }
0x33: {  	s0 =	sor.u32 s1, s0  }
0x34: {  	s0 =	sadd.s32 $0x8F2B, s0  }
0x35: {  	[sflag:s0] =	ssyncadd.remote.s32 $0x1  }
0x36: {  	_ =	sfence.sel $0xFFFF  }
0x37: {  	[dreg:$0x0] =	wrdreg $0xFFFFFFFF;
	(pc) =	sbr.abs _section_cstart, $3  }
0x38: {  	[dreg:$0x1] =	wrdreg $0xFFFFFFFF  }
0x39: {  	_ =	task.clear_ibuf [dreg:s7], $0x2FFFF;
	_ =	strace $0x9FFFFFFF  }
0x3a: {  	(tm) =	ssettm $0x7FFFFFFF  }
0x3b: {  	_ =	shalt  }
tec
execute0_lowered:
.L_overlay_start_1:
0x0: {  	(tag) =	ssettag $0x1  }
0x1: {  	s0 =	stileid.u32;
	s7 =	rddreg [dreg:$0x0]  }
0x2: {  	s1 =	srdreg.scid;
	s4 =	rddreg [dreg:$0x1]  }
0x3: {  	s30 =	simm.s32 $0x2;
	s10 =	simm.s32 $0x0;
	s14 =	simm.s32 $0x0  }
0x4: {  	s15 =	simm.s32 $0x0;
	s11 =	simm.s32 $0x0;
	s13 =	simm.s32 $0x0  }
0x5: {  	s2 =	sand.u32 $0x1, s1;
	s3 =	sshll.u32 s0, $0x7;
	s1 =	rddreg [dreg:$0x2]  }
0x6: {  	_ =	strace $0x80000047;
	s5 =	ssub.s32 $0xC300, s3;
	s6 =	ssub.s32 $0x2, s2  }
.Ltmp0:
0x7: {  	s5 =	sshrl.u32 s5, $0xB;
	s8 =	sshrl.u32 s6, $0x1;
	(pc) =	sbr.rel .LBB1_1-.Ltmp0, $4  }
0x8: {  	s4 =	sadd.s32 $0xC00, s4;
	s9 =	sadd.s32 $0x1, s5;
	s6 =	ssub.s32 s6, s8  }
0x9: {  	s31 =	sshll.u32 s2, $0x4;
	s5 =	simm.s32 $0x1;
	s6 =	smul.u32 s9, s6  }
0xa: {  	s12 =	smov.u32 s3;
	s7 =	sadd.s32 s7, s31;
	[sflag:s5] =	ssyncpa.u1 $0x0  }
0xb: {  	s9 =	simm.s32 $0x0;
	[sflag:s30] =	ssyncpa.u1 $0x0;
	s8 =	sadd.s32 $0x1, s6  }
.LBB1_4:
0xc: {  	s21 =	simm.s32 $0x0  }
.LBB1_8:
0xd: {  	_ =	sdelay $0x3  }
0xe: {  	v6 =	vld [tilespmem:s18+$0xFFFFFFC0];
	[tilespmem:v0+s20+$0x30 ss:$0x1] =	vst.idx.msk @p0 $0xffff, v2  }
0xf: {  	v58 =	vld [tilespmem:s18+$0xFFFFFFD0];
	[tilespmem:v0+s20+$0x40 ss:$0x1] =	vst.idx.msk @p0 $0xffff, v3;
	s21 =	sadd.s32 @p0 $0x80, s21  }
0x10: {  	v59 =	vld [tilespmem:s18+$0xFFFFFFE0];
	[tilespmem:v0+s20+$0x50 ss:$0x1] =	vst.idx.msk @p0 $0xffff, v5;
	s19 =	smov.u32 @p0 s21  }
0x11: {  	v60 =	vld [tilespmem:s18+$0xFFFFFFF0];
	[tilespmem:v0+s20+$0x60 ss:$0x1] =	vst.idx.msk @p0 $0xffff, v4;
	s19 =	sand.u32 $0x3F80, s19  }
0x12: {  	v61 =	vld [tilespmem:s18+$0x0];
	[tilespmem:v0+s19+$0x70 ss:$0x1] =	vst.idx.msk $0xffff, v1  }
0x13: {  	v62 =	vld [tilespmem:s18+$0x10];
	[tilespmem:v0+s19+$0x0 ss:$0x1] =	vst.idx.msk $0xffff, v6  }
0x14: {  	v63 =	vld [tilespmem:s18+$0x20];
	[tilespmem:v0+s19+$0x10 ss:$0x1] =	vst.idx.msk $0xffff, v58  }
0x15: {  	[tilespmem:v0+s19+$0x20 ss:$0x1] =	vst.idx.msk $0xffff, v59  }
0x16: {  	[tilespmem:v0+s19+$0x30 ss:$0x1] =	vst.idx.msk $0xffff, v60  }
0x17: {  	[tilespmem:v0+s19+$0x40 ss:$0x1] =	vst.idx.msk $0xffff, v61  }
0x18: {  	[tilespmem:v0+s19+$0x50 ss:$0x1] =	vst.idx.msk $0xffff, v62  }
0x19: {  	[tilespmem:v0+s19+$0x60 ss:$0x1] =	vst.idx.msk $0xffff, v63  }
.LBB1_9:
0x1a: {  	s18 =	sand.u32 $0x1FFFFFF, s11  }
0x1b: {  	s19 =	smulhi.u32 $0x14F8B59, s18;
	_ =	sdelay $0x1  }
0x1c: {  	s19 =	sshrl.u32 s19, $0x8  }
0x1d: {  	s19 =	smul.u32 $0xC350, s19  }
0x1e: {  	s15 =	smul.u32 $0xC3500, s15  }
0x1f: {  	s18 =	ssub.s32 s18, s19  }
0x20: {  	s15 =	sadd.s32 s4, s15;
	s18 =	sshll.u32 s18, $0x4  }
0x21: {  	s15 =	sadd.s32 s18, s15  }
0x22: {  	[hbm4b:s15+s9] =	stream.linear.scatter [tilespmem:s17], [sflag:$0x2], s16, $0x38;
	[tilespmem:$0x10000] =	vst v63  }
.LBB1_10:
0x23: {  	p0 =	slt.u32 s13, $0x2  }
0x24: {  	p1 =	sgt.s32 @!p0 s14, $0xC2D0  }
0x25: {  	s15 =	smov.u32 s14;
	s16 =	sshra.s32 @!p0 s14, $0x1F;
	p1 =	por !p1, p0  }
0x26: {  	s14 =	sand.u32 @!p0 s16, s14;
	s15 =	simm.s32 @p1 $0xC2D0  }
0x27: {  	s14 =	ssub.s32 @!p0 s15, s14  }
0x28: {  	s14 =	sadd.s32 @!p0 $0xFFFF3D30, s14  }
0x29: {  	s15 =	sshll.u32 @!p0 s14, $0x7  }
0x2a: {  	p1 =	sgt.s32 @!p0 s14, $0x7F;
	s14 =	ssub.s32 @!p0 $0x4000, s15  }
0x2b: {  	s16 =	sadd.s32 $0x800, s12;
	p1 =	por !p1, p0;
	s14 =	sand.u32 @!p0 $0x3FFFFF80, s14  }
0x2c: {  	s14 =	simm.s32 @!p1 $0x0;
	p1 =	sgt.s32 s16, $0xC34F  }
0x2d: {  	s16 =	smov.u32 @p1 s3;
	p1 =	sne.s32 s13, s8  }
.Ltmp1:
0x2e: {  	_ = 	snop;
	(pc) =	sbr.rel @!p1 .LBB1_11-.Ltmp1, $4  }
0x2f: {  	s10 =	sadd.s32 $0x4000, s10;
	s15 =	simm.s32 @!p0 $0x2  }
0x30: {  	_ =	swait.ge @!p0 [sflag:s15], s14;
	s17 =	ssub.s32 @!p0 $0x0, s14;
	s14 =	smov.u32 s11  }
0x31: {  	s13 =	sadd.s32 $0x1, s13;
	s11 =	smov.u32 s12;
	[sflag:s15] =	ssyncset.done @!p0 $0x0  }
0x32: {  	s12 =	smov.u32 s16;
	[sflag:s15] =	ssyncadd.s32 @!p0 s17;
	s15 =	smov.u32 s2  }
.LBB1_1:
0x33: {  	p0 =	sge.u32 s13, s6  }
0x34: {  	p1 =	sgt.s32 @!p0 s12, $0xC2D0  }
0x35: {  	s16 =	smov.u32 s12;
	s17 =	sshra.s32 @!p0 s12, $0x1F;
	p1 =	por !p1, p0  }
0x36: {  	s17 =	sand.u32 @!p0 s17, s12;
	s16 =	simm.s32 @p1 $0xC2D0  }
0x37: {  	s16 =	ssub.s32 @!p0 s16, s17  }
0x38: {  	s31 =	sadd.s32 $0xFFFFFFFF, s13;
	s18 =	sxor.u32 @!p0 $0xFFFFFFFF, s13;
	s16 =	sadd.s32 @!p0 $0xFFFF3D30, s16  }
0x39: {  	s19 =	simm.s32 @!p0 $0x80;
	s20 =	simm.s32 @!p0 $0x100;
	s17 =	sshll.u32 @!p0 s16, $0x7  }
0x3a: {  	p1 =	sgt.s32 @!p0 s16, $0x7F;
	s16 =	ssub.s32 @!p0 $0x4000, s17;
	s17 =	sshll.u32 @!p0 s18, $0xE  }
0x3b: {  	p1 =	por !p1, p0;
	s18 =	sshll.u32 @!p0 s12, $0x5;
	s16 =	sand.u32 @!p0 $0x3FFFFF80, s16  }
0x3c: {  	s17 =	sand.u32 @!p0 $0x4000, s17;
	s18 =	sadd.s32 @!p0 s18, s7;
	s16 =	simm.s32 @!p1 $0x0  }
0x3d: {  	[tilespmem:s17], [sflag:$0x1] =	stream.strided.gather @!p0 [hbm4b:s18+s19], s16, s20, s19, $0x38;
	[tilespmem:$0x10000] =	vst v63  }
0x3e: {  	p0 =	sge.u32 s31, s6  }
.Ltmp2:
0x3f: {  	_ = 	snop;
	(pc) =	sbr.rel @p0 .LBB1_10-.Ltmp2, $1  }
0x40: {  	_ =	sdelay $0x3  }
0x41: {  	p0 =	sgt.s32 s11, $0xC2D0;
	s16 =	smov.u32 s11;
	s17 =	sshra.s32 s11, $0x1F  }
0x42: {  	s16 =	simm.s32 @!p0 $0xC2D0;
	s17 =	sand.u32 s17, s11  }
0x43: {  	s16 =	ssub.s32 s16, s17  }
0x44: {  	s16 =	sadd.s32 $0xFFFF3D30, s16  }
0x45: {  	s30 =	sshll.u32 s16, $0x7  }
0x46: {  	s17 =	ssub.s32 $0x4000, s30  }
0x47: {  	p0 =	sgt.s32 s16, $0x7F;
	s16 =	sand.u32 $0x3FFFFF80, s17;
	s17 =	sadd.s32 $0x80, s11  }
0x48: {  	s16 =	simm.s32 @p0 $0x0;
	p0 =	slt.s32 s17, $0xC350  }
0x49: {  	s17 =	simm.s32 @!p0 $0xC350  }
0x4a: {  	s20 =	ssub.s32 s17, s11  }
0x4b: {  	p0 =	slt.s32 s20, $0x1  }
.Ltmp3:
0x4c: {  	_ = 	snop;
	(pc) =	sbr.rel @p0 .LBB1_9-.Ltmp3, $4  }
0x4d: {  	_ = 	snop  }
0x4e: {  	s19 =	sshll.u32 s13, $0xE;
	_ =	swait.ge [sflag:s5], s16  }
0x4f: {  	s31 =	sand.u32 $0x4000, s19;
	s18 =	ssub.s32 $0x0, s16;
	[sflag:s5] =	ssyncset.done $0x0  }
0x50: {  	s17 =	sor.u32 $0x8000, s31;
	[sflag:s5] =	ssyncadd.s32 s18  }
0x51: {  	p1 =	sne.s32 s20, $0x1  }
.Ltmp4:
0x52: {  	v0 =	vmov s17;
	(pc) =	sbr.rel @!p1 .LBB1_4-.Ltmp4, $4  }
0x53: {  	_ = 	snop  }
0x54: {  	s18 =	sand.u32 $0x4000, s10  }
0x55: {  	s18 =	sor.u32 $0x40, s18  }
0x56: {  	s19 =	simm.s32 $0x0;
	s21 =	sadd.s32 $0xFFFFFFFF, s20;
	p0 =	por $0x0, $0x0;
	v1 =	vld [tilespmem:s18+$0x30]  }
0x57: {  	v4 =	vld [tilespmem:s18+$0xFFFFFFC0]  }
0x58: {  	v6 =	vld [tilespmem:s18+$0xFFFFFFD0]  }
0x59: {  	v7 =	vld [tilespmem:s18+$0xFFFFFFE0];
	p1 =	sne.s32 s21, $0x1  }
.Ltmp5:
0x5a: {  	v2 =	vld [tilespmem:s18+$0xFFFFFFF0];
	s20 =	sand.u32 $0x3F80, s19;
	(pc) =	sbr.rel @!p1 .LBB1_6-.Ltmp5, $4  }
0x5b: {  	v3 =	vld [tilespmem:s18+$0x0];
	[tilespmem:v0+s20+$0x70 ss:$0x1] =	vst.idx.msk $0xffff, v1  }
0x5c: {  	v5 =	vld [tilespmem:s18+$0x10];
	[tilespmem:v0+s20+$0x0 ss:$0x1] =	vst.idx.msk $0xffff, v4  }
0x5d: {  	v4 =	vld [tilespmem:s18+$0x20];
	[tilespmem:v0+s20+$0x10 ss:$0x1] =	vst.idx.msk $0xffff, v6;
	s18 =	sadd.s32 $0x80, s18  }
0x5e: {  	s22 =	sadd.s32 $0xFFFFFFFF, s21;
	p0 =	por $0x1, $0x1;
	s21 =	simm.s32 $0x0;
	[tilespmem:v0+s20+$0x20 ss:$0x1] =	vst.idx.msk $0xffff, v7;
	v1 =	vld [tilespmem:s18+$0x30]  }
.LBB1_7:
0x5f: {  	p1 =	sne.s32 s22, $0x1;
	v6 =	vld [tilespmem:s18+$0xFFFFFFC0];
	[tilespmem:v0+s20+$0x30 ss:$0x1] =	vst.idx.msk $0xffff, v2  }
0x60: {  	v7 =	vld [tilespmem:s18+$0xFFFFFFD0];
	[tilespmem:v0+s20+$0x40 ss:$0x1] =	vst.idx.msk $0xffff, v3  }
0x61: {  	s21 =	sadd.s32 $0x80, s21;
	v8 =	vld [tilespmem:s18+$0xFFFFFFE0];
	[tilespmem:v0+s20+$0x50 ss:$0x1] =	vst.idx.msk $0xffff, v5  }
.Ltmp6:
0x62: {  	v2 =	vld [tilespmem:s18+$0xFFFFFFF0];
	[tilespmem:v0+s20+$0x60 ss:$0x1] =	vst.idx.msk $0xffff, v4;
	s20 =	sand.u32 $0x3F80, s21;
	(pc) =	sbr.rel @p1 .LBB1_7-.Ltmp6, $4  }
0x63: {  	v3 =	vld [tilespmem:s18+$0x0];
	[tilespmem:v0+s20+$0x70 ss:$0x1] =	vst.idx.msk $0xffff, v1  }
0x64: {  	[tilespmem:v0+s20+$0x0 ss:$0x1] =	vst.idx.msk $0xffff, v6;
	v5 =	vld [tilespmem:s18+$0x10]  }
0x65: {  	[tilespmem:v0+s20+$0x10 ss:$0x1] =	vst.idx.msk $0xffff, v7;
	v4 =	vld [tilespmem:s18+$0x20];
	s18 =	sadd.s32 $0x80, s18  }
0x66: {  	s22 =	sadd.s32 $0xFFFFFFFF, s22;
	v1 =	vld [tilespmem:s18+$0x30];
	[tilespmem:v0+s20+$0x20 ss:$0x1] =	vst.idx.msk $0xffff, v8  }
.Ltmp7:
0x67: {  	_ = 	snop;
	(pc) =	sbr.rel .LBB1_8-.Ltmp7, $1  }
0x68: {  	_ =	sdelay $0x3  }
.LBB1_6:
.Ltmp8:
0x69: {  	(pc) =	sbr.rel .LBB1_8-.Ltmp8, $2  }
0x6a: {  	_ =	sdelay $0x2  }
0x6b: {  	s21 =	simm.s32 $0x0  }
.LBB1_11:
0x6c: {  	_ =	sfence.sel $0x180000  }
0x6d: {  	s2 =	simm.s32 $0x1;
	[bflag:$0x0] =	sbarrier.arrive $0xFFFF  }
0x6e: {  	s31 =	simm.s32 $0x2;
	[sflag:s2] =	ssyncpa.u1 $0x1  }
0x6f: {  	[sflag:s31] =	ssyncpa.u1 $0x1  }
0x70: {  	p0 =	sne.s32 s0, $0x0;
	_ =	strace $0x90000047  }
0x71: {  	s0 =	sadd.s32 @!p0 $0x100000, s1;
	[bflag:$0x2] =	sbarrier.arrive $0xFFFF  }
0x72: {  	[sflag:s0] =	ssyncadd.tile.s32 @!p0 $0x1;
	_ =	shalt  }
.Lfunc_end1:
_tile_overlayer_lowered:
.L_overlay_start_2:
0x73: {  	(tag) =	ssettag $0x2  }
0x74: {  	s0 =	rddreg [dreg:$0x0];
	s2 =	stileid.u32  }
0x75: {  	s1 =	rddreg [dreg:$0x1];
	p0 =	sne.s32 s2, $0x0  }
0x76: {  	s3 =	rddreg [dreg:$0x2];
	[bflag:$0x3] =	sbarrier.arrive $0xFFFF;
	s2 =	simm.s32 @!p0 $0x1C01  }
0x77: {  	[timem:s3], [sflag:s2] =	dma.local @!p0 [hbm:s0], s1  }
0x78: {  	s0 =	simm.s32 @!p0 $0x1  }
0x79: {  	_ =	swait.ge @!p0 [sflag:s0], s1  }
0x7a: {  	s1 =	ssub.s32 @!p0 $0x0, s1;
	[sflag:s0] =	ssyncset.done @!p0 $0x0  }
0x7b: {  	[sflag:s0] =	ssyncadd.s32 @!p0 s1  }
0x7c: {  	[bflag:$0x3] =	sbarrier.arrive $0xFFFF  }
0x7d: {  	_ =	shalt  }

// kernel: sparse-core-data-format-call.cloned.1.call-start
scs
called_computation_lowered:
.L_overlay_start_0:
0x0: {  	s2 =	sld [smem:$0x3FD9]  }
0x1: {  	s3 =	sld [smem:$0x3FFE];
	_ =	sdelay $0x1  }
0x2: {  	s1 =	srdreg.scid  }
0x3: {  	s0 =	sand.u32 $0x1, s1  }
0x4: {  	s18 =	sshll.u32 s0, $0xA;
	s2 =	sadd.s32 s3, s2  }
0x5: {  	s2 =	sadd.s32 s2, s18  }
0x6: {  	[smem:$0x3FC4] =	sst s2  }
0x7: {  	_ = 	snop  }
0x8: {  	s19 =	sld [smem:$0x3FC6];
	(tm) =	ssettm $0x1  }
0x9: {  	s20 =	sld [smem:$0x3FFB];
	_ =	sdelay $0x3  }
0xa: {  	_ =	strace s20  }
0xb: {  	s2 =	sld [smem:$0x3FFC];
	_ =	sdelay $0x3  }
0xc: {  	_ =	strace s2  }
0xd: {  	s2 =	sld [smem:$0x3FFD];
	_ =	sdelay $0x3  }
0xe: {  	_ =	strace s2  }
0xf: {  	_ =	strace $0x8FFFFFFF  }
0x10: {  	s21 =	sld [smem:$0x3FDB];
	_ =	sdelay $0x1  }
0x11: {  	s4 =	simm.s32 $_scs_section_size  }
0x12: {  	s5 =	simm.s32 $_size__tile_overlayer_lowered;
	s6 =	simm.s32 $_tile_overlayer_lowered  }
0x13: {  	s7 =	simm.s32 $0x1BFF;
	s22 =	sshll.u32 s6, $0x1;
	s4 =	sadd.s32 s4, s21  }
0x14: {  	s23 =	simm.s32 $0x0;
	s5 =	sshll.u32 s5, $0x1;
	s6 =	sadd.s32 s22, s4  }
0x15: {  	[timem:s23], [sflag:s7] =	dma.local [hbm:s6], s5  }
0x16: {  	_ =	swait.ge [sflag:s7], s5  }
0x17: {  	s5 =	ssub.s32 $0x0, s5;
	[sflag:s7] =	ssyncset.done $0x0  }
0x18: {  	[sflag:s7] =	ssyncadd.s32 s5;
	_ =	sdelay $0x1  }
0x19: {  	s24 =	simm.s32 $0x1B8B  }
0x1a: {  	_ =	swait.ge [sflag:s24], $0x1  }
0x1b: {  	[sflag:s24] =	ssyncset.done $0x0  }
0x1c: {  	[sflag:s24] =	ssyncadd.s32 $0xFFFFFFFF  }
0x1d: {  	s5 =	sld [smem:$0x0]  }
0x1e: {  	s6 =	sand.u32 $0xFFFFFFFE, s1  }
0x1f: {  	p0 =	sne.s32 s1, s6  }
0x20: {  	s6 =	sshll.u32 @p0 s6, $0xE  }
0x21: {  	s6 =	sadd.s32 @p0 $0x11B8D, s6;
	s7 =	sshll.u32 @p0 s5, $0x11  }
0x22: {  	s6 =	sor.u32 @p0 s7, s6  }
0x23: {  	[sflag:s6] =	ssyncadd.remote.s32 @p0 $0x1;
	_ =	sdelay $0x1  }
0x24: {  	s6 =	simm.s32 @p0 $0x1B8D  }
0x25: {  	_ =	swait.eq @p0 [sflag:s6], $0x1  }
0x26: {  	[sflag:s6] =	ssyncadd.s32 @p0 $0xFFFFFFFF  }
0x27: {  	s7 =	sshll.u32 @!p0 s1, $0xE  }
0x28: {  	s7 =	sor.u32 @!p0 $0x4000, s7;
	s6 =	simm.s32 @!p0 $0x1B8D  }
0x29: {  	s5 =	sshll.u32 @!p0 s5, $0x11;
	s7 =	sadd.s32 @!p0 $0x11B8D, s7;
	_ =	swait.eq @!p0 [sflag:s6], $0x1  }
0x2a: {  	s5 =	sor.u32 @!p0 s5, s7;
	[sflag:s6] =	ssyncadd.s32 @!p0 $0xFFFFFFFF  }
0x2b: {  	s26 =	simm.s32 $0x1B8E;
	s25 =	sld [smem:$0x3FFE];
	[sflag:s5] =	ssyncadd.remote.s32 @!p0 $0x1  }
0x2c: {  	s27 =	simm.s32 $execute0_lowered;
	[smem:$0x3FD2] =	sst s26  }
0x2d: {  	s6 =	sshll.u32 s27, $0x1;
	_ =	strace $0x80000049;
	[dreg:$0x1] =	wrdreg $0xFFFFFFFF  }
0x2e: {  	s28 =	simm.s32 $_size_execute0_lowered;
	s4 =	sadd.s32 s4, s6;
	[dreg:$0x0] =	wrdreg $0x0  }
0x2f: {  	s6 =	sshll.u32 s28, $0x1;
	[dreg:$0x2] =	wrdreg s4  }
0x30: {  	[dreg:$0x3] =	wrdreg s6  }
0x31: {  	[dreg:$0x4] =	wrdreg $0xC0  }
0x32: {  	_ =	task [dreg:s23], $0x5FFFF  }
0x33: {  	[dreg:$0x1] =	wrdreg $0xFFFFFFFF  }
0x34: {  	[dreg:$0x0] =	wrdreg $0x60  }
0x35: {  	[dreg:$0x2] =	wrdreg s19  }
0x36: {  	[dreg:$0x3] =	wrdreg s25  }
0x37: {  	[dreg:$0x4] =	wrdreg $0x9  }
0x38: {  	_ =	task.clear_ibuf [dreg:s23], $0x5FFFF;
	_ =	strace $0x90000049  }
0x39: {  	s29 =	simm.s32 $0x9;
	_ =	strace $0x8000004B  }
0x3a: {  	_ =	swait.ge [sflag:s29], $0x1  }
0x3b: {  	[sflag:s29] =	ssyncadd.s32 $0xFFFFFFFF  }
0x3c: {  	_ =	strace $0x9000004B  }
0x3d: {  	_ =	sfence  }
0x3e: {  	s30 =	sld [smem:$0x0];
	_ =	sdelay $0x2  }
0x3f: {  	s31 =	sshll.u32 s1, $0xD;
	s1 =	sshrl.u32 s1, $0x2  }
0x40: {  	s4 =	sand.u32 $0x4000, s31;
	s1 =	sadd.s32 s1, s30  }
0x41: {  	s0 =	sor.u32 s4, s0;
	s1 =	sshll.u32 s1, $0x11  }
0x42: {  	s0 =	sor.u32 s1, s0  }
0x43: {  	s0 =	sadd.s32 $0x8F2B, s0  }
0x44: {  	[sflag:s0] =	ssyncadd.remote.s32 $0x1  }
0x45: {  	_ =	sfence.sel $0xFFFF  }
0x46: {  	[dreg:$0x0] =	wrdreg $0xFFFFFFFF;
	(pc) =	sbr.abs _section_cstart, $3  }
0x47: {  	[dreg:$0x1] =	wrdreg $0xFFFFFFFF  }
0x48: {  	_ =	task.clear_ibuf [dreg:s23], $0x2FFFF;
	_ =	strace $0x9FFFFFFF  }
0x49: {  	(tm) =	ssettm $0x7FFFFFFF  }
tec
execute0_lowered:
.L_overlay_start_1:
0x0: {  	(tag) =	ssettag $0x1  }
0x1: {  	s0 =	stileid.u32;
	s7 =	rddreg [dreg:$0x0]  }
0x2: {  	s1 =	srdreg.scid;
	s4 =	rddreg [dreg:$0x1]  }
0x3: {  	s30 =	simm.s32 $0x2;
	s10 =	simm.s32 $0x0;
	s14 =	simm.s32 $0x0  }
0x4: {  	s15 =	simm.s32 $0x0;
	s11 =	simm.s32 $0x0;
	s13 =	simm.s32 $0x0  }
0x5: {  	s2 =	sand.u32 $0x1, s1;
	s3 =	sshll.u32 s0, $0x7;
	s1 =	rddreg [dreg:$0x2]  }
0x6: {  	_ =	strace $0x8000004A;
	s5 =	ssub.s32 $0xC300, s3;
	s6 =	ssub.s32 $0x2, s2  }
.Ltmp0:
0x7: {  	s5 =	sshrl.u32 s5, $0xB;
	s8 =	sshrl.u32 s6, $0x1;
	(pc) =	sbr.rel .LBB1_1-.Ltmp0, $4  }
0x8: {  	s4 =	sadd.s32 $0x187600, s4;
	s9 =	sadd.s32 $0x1, s5;
	s6 =	ssub.s32 s6, s8  }
0x9: {  	s31 =	sshll.u32 s2, $0x4;
	s5 =	simm.s32 $0x1;
	s6 =	smul.u32 s9, s6  }
0xa: {  	s12 =	smov.u32 s3;
	s7 =	sadd.s32 s7, s31;
	[sflag:s5] =	ssyncpa.u1 $0x0  }
0xb: {  	s9 =	simm.s32 $0x0;
	[sflag:s30] =	ssyncpa.u1 $0x0;
	s8 =	sadd.s32 $0x1, s6  }
.LBB1_4:
0xc: {  	s21 =	simm.s32 $0x0  }
.LBB1_8:
0xd: {  	_ =	sdelay $0x3  }
0xe: {  	v6 =	vld [tilespmem:s18+$0xFFFFFFC0];
	[tilespmem:v0+s20+$0x30 ss:$0x1] =	vst.idx.msk @p0 $0xffff, v2  }
0xf: {  	v58 =	vld [tilespmem:s18+$0xFFFFFFD0];
	[tilespmem:v0+s20+$0x40 ss:$0x1] =	vst.idx.msk @p0 $0xffff, v3;
	s21 =	sadd.s32 @p0 $0x80, s21  }
0x10: {  	v59 =	vld [tilespmem:s18+$0xFFFFFFE0];
	[tilespmem:v0+s20+$0x50 ss:$0x1] =	vst.idx.msk @p0 $0xffff, v5;
	s19 =	smov.u32 @p0 s21  }
0x11: {  	v60 =	vld [tilespmem:s18+$0xFFFFFFF0];
	[tilespmem:v0+s20+$0x60 ss:$0x1] =	vst.idx.msk @p0 $0xffff, v4;
	s19 =	sand.u32 $0x3F80, s19  }
0x12: {  	v61 =	vld [tilespmem:s18+$0x0];
	[tilespmem:v0+s19+$0x70 ss:$0x1] =	vst.idx.msk $0xffff, v1  }
0x13: {  	v62 =	vld [tilespmem:s18+$0x10];
	[tilespmem:v0+s19+$0x0 ss:$0x1] =	vst.idx.msk $0xffff, v6  }
0x14: {  	v63 =	vld [tilespmem:s18+$0x20];
	[tilespmem:v0+s19+$0x10 ss:$0x1] =	vst.idx.msk $0xffff, v58  }
0x15: {  	[tilespmem:v0+s19+$0x20 ss:$0x1] =	vst.idx.msk $0xffff, v59  }
0x16: {  	[tilespmem:v0+s19+$0x30 ss:$0x1] =	vst.idx.msk $0xffff, v60  }
0x17: {  	[tilespmem:v0+s19+$0x40 ss:$0x1] =	vst.idx.msk $0xffff, v61  }
0x18: {  	[tilespmem:v0+s19+$0x50 ss:$0x1] =	vst.idx.msk $0xffff, v62  }
0x19: {  	[tilespmem:v0+s19+$0x60 ss:$0x1] =	vst.idx.msk $0xffff, v63  }
.LBB1_9:
0x1a: {  	s18 =	sand.u32 $0x1FFFFFF, s11  }
0x1b: {  	s19 =	smulhi.u32 $0x14F8B59, s18;
	_ =	sdelay $0x1  }
0x1c: {  	s19 =	sshrl.u32 s19, $0x8  }
0x1d: {  	s19 =	smul.u32 $0xC350, s19  }
0x1e: {  	s15 =	smul.u32 $0xC3500, s15  }
0x1f: {  	s18 =	ssub.s32 s18, s19  }
0x20: {  	s15 =	sadd.s32 s4, s15;
	s18 =	sshll.u32 s18, $0x4  }
0x21: {  	s15 =	sadd.s32 s18, s15  }
0x22: {  	[hbm4b:s15+s9] =	stream.linear.scatter [tilespmem:s17], [sflag:$0x2], s16, $0x38;
	[tilespmem:$0x10000] =	vst v63  }
.LBB1_10:
0x23: {  	p0 =	slt.u32 s13, $0x2  }
0x24: {  	p1 =	sgt.s32 @!p0 s14, $0xC2D0  }
0x25: {  	s15 =	smov.u32 s14;
	s16 =	sshra.s32 @!p0 s14, $0x1F;
	p1 =	por !p1, p0  }
0x26: {  	s14 =	sand.u32 @!p0 s16, s14;
	s15 =	simm.s32 @p1 $0xC2D0  }
0x27: {  	s14 =	ssub.s32 @!p0 s15, s14  }
0x28: {  	s14 =	sadd.s32 @!p0 $0xFFFF3D30, s14  }
0x29: {  	s15 =	sshll.u32 @!p0 s14, $0x7  }
0x2a: {  	p1 =	sgt.s32 @!p0 s14, $0x7F;
	s14 =	ssub.s32 @!p0 $0x4000, s15  }
0x2b: {  	s16 =	sadd.s32 $0x800, s12;
	p1 =	por !p1, p0;
	s14 =	sand.u32 @!p0 $0x3FFFFF80, s14  }
0x2c: {  	s14 =	simm.s32 @!p1 $0x0;
	p1 =	sgt.s32 s16, $0xC34F  }
0x2d: {  	s16 =	smov.u32 @p1 s3;
	p1 =	sne.s32 s13, s8  }
.Ltmp1:
0x2e: {  	_ = 	snop;
	(pc) =	sbr.rel @!p1 .LBB1_11-.Ltmp1, $4  }
0x2f: {  	s10 =	sadd.s32 $0x4000, s10;
	s15 =	simm.s32 @!p0 $0x2  }
0x30: {  	_ =	swait.ge @!p0 [sflag:s15], s14;
	s17 =	ssub.s32 @!p0 $0x0, s14;
	s14 =	smov.u32 s11  }
0x31: {  	s13 =	sadd.s32 $0x1, s13;
	s11 =	smov.u32 s12;
	[sflag:s15] =	ssyncset.done @!p0 $0x0  }
0x32: {  	s12 =	smov.u32 s16;
	[sflag:s15] =	ssyncadd.s32 @!p0 s17;
	s15 =	smov.u32 s2  }
.LBB1_1:
0x33: {  	p0 =	sge.u32 s13, s6  }
0x34: {  	p1 =	sgt.s32 @!p0 s12, $0xC2D0  }
0x35: {  	s16 =	smov.u32 s12;
	s17 =	sshra.s32 @!p0 s12, $0x1F;
	p1 =	por !p1, p0  }
0x36: {  	s17 =	sand.u32 @!p0 s17, s12;
	s16 =	simm.s32 @p1 $0xC2D0  }
0x37: {  	s16 =	ssub.s32 @!p0 s16, s17  }
0x38: {  	s31 =	sadd.s32 $0xFFFFFFFF, s13;
	s18 =	sxor.u32 @!p0 $0xFFFFFFFF, s13;
	s16 =	sadd.s32 @!p0 $0xFFFF3D30, s16  }
0x39: {  	s19 =	simm.s32 @!p0 $0x80;
	s20 =	simm.s32 @!p0 $0x100;
	s17 =	sshll.u32 @!p0 s16, $0x7  }
0x3a: {  	p1 =	sgt.s32 @!p0 s16, $0x7F;
	s16 =	ssub.s32 @!p0 $0x4000, s17;
	s17 =	sshll.u32 @!p0 s18, $0xE  }
0x3b: {  	p1 =	por !p1, p0;
	s18 =	sshll.u32 @!p0 s12, $0x5;
	s16 =	sand.u32 @!p0 $0x3FFFFF80, s16  }
0x3c: {  	s17 =	sand.u32 @!p0 $0x4000, s17;
	s18 =	sadd.s32 @!p0 s18, s7;
	s16 =	simm.s32 @!p1 $0x0  }
0x3d: {  	[tilespmem:s17], [sflag:$0x1] =	stream.strided.gather @!p0 [hbm4b:s18+s19], s16, s20, s19, $0x38;
	[tilespmem:$0x10000] =	vst v63  }
0x3e: {  	p0 =	sge.u32 s31, s6  }
.Ltmp2:
0x3f: {  	_ = 	snop;
	(pc) =	sbr.rel @p0 .LBB1_10-.Ltmp2, $1  }
0x40: {  	_ =	sdelay $0x3  }
0x41: {  	p0 =	sgt.s32 s11, $0xC2D0;
	s16 =	smov.u32 s11;
	s17 =	sshra.s32 s11, $0x1F  }
0x42: {  	s16 =	simm.s32 @!p0 $0xC2D0;
	s17 =	sand.u32 s17, s11  }
0x43: {  	s16 =	ssub.s32 s16, s17  }
0x44: {  	s16 =	sadd.s32 $0xFFFF3D30, s16  }
0x45: {  	s30 =	sshll.u32 s16, $0x7  }
0x46: {  	s17 =	ssub.s32 $0x4000, s30  }
0x47: {  	p0 =	sgt.s32 s16, $0x7F;
	s16 =	sand.u32 $0x3FFFFF80, s17;
	s17 =	sadd.s32 $0x80, s11  }
0x48: {  	s16 =	simm.s32 @p0 $0x0;
	p0 =	slt.s32 s17, $0xC350  }
0x49: {  	s17 =	simm.s32 @!p0 $0xC350  }
0x4a: {  	s20 =	ssub.s32 s17, s11  }
0x4b: {  	p0 =	slt.s32 s20, $0x1  }
.Ltmp3:
0x4c: {  	_ = 	snop;
	(pc) =	sbr.rel @p0 .LBB1_9-.Ltmp3, $4  }
0x4d: {  	_ = 	snop  }
0x4e: {  	s19 =	sshll.u32 s13, $0xE;
	_ =	swait.ge [sflag:s5], s16  }
0x4f: {  	s31 =	sand.u32 $0x4000, s19;
	s18 =	ssub.s32 $0x0, s16;
	[sflag:s5] =	ssyncset.done $0x0  }
0x50: {  	s17 =	sor.u32 $0x8000, s31;
	[sflag:s5] =	ssyncadd.s32 s18  }
0x51: {  	p1 =	sne.s32 s20, $0x1  }
.Ltmp4:
0x52: {  	v0 =	vmov s17;
	(pc) =	sbr.rel @!p1 .LBB1_4-.Ltmp4, $4  }
0x53: {  	_ = 	snop  }
0x54: {  	s18 =	sand.u32 $0x4000, s10  }
0x55: {  	s18 =	sor.u32 $0x40, s18  }
0x56: {  	s19 =	simm.s32 $0x0;
	s21 =	sadd.s32 $0xFFFFFFFF, s20;
	p0 =	por $0x0, $0x0;
	v1 =	vld [tilespmem:s18+$0x30]  }
0x57: {  	v4 =	vld [tilespmem:s18+$0xFFFFFFC0]  }
0x58: {  	v6 =	vld [tilespmem:s18+$0xFFFFFFD0]  }
0x59: {  	v7 =	vld [tilespmem:s18+$0xFFFFFFE0];
	p1 =	sne.s32 s21, $0x1  }
.Ltmp5:
0x5a: {  	v2 =	vld [tilespmem:s18+$0xFFFFFFF0];
	s20 =	sand.u32 $0x3F80, s19;
	(pc) =	sbr.rel @!p1 .LBB1_6-.Ltmp5, $4  }
0x5b: {  	v3 =	vld [tilespmem:s18+$0x0];
	[tilespmem:v0+s20+$0x70 ss:$0x1] =	vst.idx.msk $0xffff, v1  }
0x5c: {  	v5 =	vld [tilespmem:s18+$0x10];
	[tilespmem:v0+s20+$0x0 ss:$0x1] =	vst.idx.msk $0xffff, v4  }
0x5d: {  	v4 =	vld [tilespmem:s18+$0x20];
	[tilespmem:v0+s20+$0x10 ss:$0x1] =	vst.idx.msk $0xffff, v6;
	s18 =	sadd.s32 $0x80, s18  }
0x5e: {  	s22 =	sadd.s32 $0xFFFFFFFF, s21;
	p0 =	por $0x1, $0x1;
	s21 =	simm.s32 $0x0;
	[tilespmem:v0+s20+$0x20 ss:$0x1] =	vst.idx.msk $0xffff, v7;
	v1 =	vld [tilespmem:s18+$0x30]  }
.LBB1_7:
0x5f: {  	p1 =	sne.s32 s22, $0x1;
	v6 =	vld [tilespmem:s18+$0xFFFFFFC0];
	[tilespmem:v0+s20+$0x30 ss:$0x1] =	vst.idx.msk $0xffff, v2  }
0x60: {  	v7 =	vld [tilespmem:s18+$0xFFFFFFD0];
	[tilespmem:v0+s20+$0x40 ss:$0x1] =	vst.idx.msk $0xffff, v3  }
0x61: {  	s21 =	sadd.s32 $0x80, s21;
	v8 =	vld [tilespmem:s18+$0xFFFFFFE0];
	[tilespmem:v0+s20+$0x50 ss:$0x1] =	vst.idx.msk $0xffff, v5  }
.Ltmp6:
0x62: {  	v2 =	vld [tilespmem:s18+$0xFFFFFFF0];
	[tilespmem:v0+s20+$0x60 ss:$0x1] =	vst.idx.msk $0xffff, v4;
	s20 =	sand.u32 $0x3F80, s21;
	(pc) =	sbr.rel @p1 .LBB1_7-.Ltmp6, $4  }
0x63: {  	v3 =	vld [tilespmem:s18+$0x0];
	[tilespmem:v0+s20+$0x70 ss:$0x1] =	vst.idx.msk $0xffff, v1  }
0x64: {  	[tilespmem:v0+s20+$0x0 ss:$0x1] =	vst.idx.msk $0xffff, v6;
	v5 =	vld [tilespmem:s18+$0x10]  }
0x65: {  	[tilespmem:v0+s20+$0x10 ss:$0x1] =	vst.idx.msk $0xffff, v7;
	v4 =	vld [tilespmem:s18+$0x20];
	s18 =	sadd.s32 $0x80, s18  }
0x66: {  	s22 =	sadd.s32 $0xFFFFFFFF, s22;
	v1 =	vld [tilespmem:s18+$0x30];
	[tilespmem:v0+s20+$0x20 ss:$0x1] =	vst.idx.msk $0xffff, v8  }
.Ltmp7:
0x67: {  	_ = 	snop;
	(pc) =	sbr.rel .LBB1_8-.Ltmp7, $1  }
0x68: {  	_ =	sdelay $0x3  }
.LBB1_6:
.Ltmp8:
0x69: {  	(pc) =	sbr.rel .LBB1_8-.Ltmp8, $2  }
0x6a: {  	_ =	sdelay $0x2  }
0x6b: {  	s21 =	simm.s32 $0x0  }
.LBB1_11:
0x6c: {  	_ =	sfence.sel $0x180000  }
0x6d: {  	s2 =	simm.s32 $0x1;
	[bflag:$0x0] =	sbarrier.arrive $0xFFFF  }
0x6e: {  	s31 =	simm.s32 $0x2;
	[sflag:s2] =	ssyncpa.u1 $0x1  }
0x6f: {  	[sflag:s31] =	ssyncpa.u1 $0x1  }
0x70: {  	p0 =	sne.s32 s0, $0x0;
	_ =	strace $0x9000004A  }
0x71: {  	s0 =	sadd.s32 @!p0 $0x100000, s1;
	[bflag:$0x2] =	sbarrier.arrive $0xFFFF  }
0x72: {  	[sflag:s0] =	ssyncadd.tile.s32 @!p0 $0x1;
	_ =	shalt  }
.Lfunc_end1:
_tile_overlayer_lowered:
.L_overlay_start_2:
0x73: {  	(tag) =	ssettag $0x2  }
0x74: {  	s0 =	rddreg [dreg:$0x0];
	s2 =	stileid.u32  }
0x75: {  	s1 =	rddreg [dreg:$0x1];
	p0 =	sne.s32 s2, $0x0  }
0x76: {  	s3 =	rddreg [dreg:$0x2];
	[bflag:$0x3] =	sbarrier.arrive $0xFFFF;
	s2 =	simm.s32 @!p0 $0x1C01  }
0x77: {  	[timem:s3], [sflag:s2] =	dma.local @!p0 [hbm:s0], s1  }
0x78: {  	s0 =	simm.s32 @!p0 $0x1  }
0x79: {  	_ =	swait.ge @!p0 [sflag:s0], s1  }
0x7a: {  	s1 =	ssub.s32 @!p0 $0x0, s1;
	[sflag:s0] =	ssyncset.done @!p0 $0x0  }
0x7b: {  	[sflag:s0] =	ssyncadd.s32 @!p0 s1  }
0x7c: {  	[bflag:$0x3] =	sbarrier.arrive $0xFFFF  }
0x7d: {  	_ =	shalt  }

</sc_bundles>
